<compile_context>
chip_gen: v7x
topology: tpu7x:2x2x1
jax: 0.10.2.dev20260603
libtpu: 0.0.44.dev20260713+nightly
codegen_flags: <defaults>
</compile_context>

<pallas_src>
import functools

import jax
import jax.numpy as jnp
from jax import lax
from jax.experimental import pallas as pl
from jax.experimental.pallas import tpu as pltpu
from jax.experimental.pallas import tpu_sc as plsc

_C = 1000
_CP = 1024
_B = 16384
_D = 512
_NC = 2
_NS = 16
_L = 16
_W = _D // (_NC * _NS)
_CH = 256
_NCH = _B // _CH
_FB = 125
_NFB = _C // _FB


def _sc_stats(x, labels, rm, rv, cc16):
    mesh = plsc.VectorSubcoreMesh(core_axis_name="c", subcore_axis_name="s")

    @functools.partial(
        pl.kernel,
        out_type=(
            jax.ShapeDtypeStruct((_C, _D), jnp.float32),
            jax.ShapeDtypeStruct((_C, _D), jnp.float32),
            jax.ShapeDtypeStruct((_CP, _L), jnp.float32),
        ),
        mesh=mesh,
        compiler_params=pltpu.CompilerParams(
            use_tc_tiling_on_sc=False, needs_layout_passes=False
        ),
        scratch_types=[
            pltpu.VMEM((_CP * _L,), jnp.float32),
            pltpu.VMEM((_CP * _L,), jnp.float32),
            pltpu.VMEM((_CP * _L,), jnp.float32),
            pltpu.VMEM((_CH, _W), jnp.float32),
            pltpu.VMEM((_CH, _W), jnp.float32),
            pltpu.VMEM((_CH,), jnp.int32),
            pltpu.VMEM((_CH,), jnp.int32),
            pltpu.SemaphoreType.DMA,
            pltpu.SemaphoreType.DMA,
            pltpu.SemaphoreType.DMA,
            pltpu.SemaphoreType.DMA,
            pltpu.VMEM((_FB, _L), jnp.float32),
            pltpu.VMEM((_FB, _L), jnp.float32),
            pltpu.VMEM((_FB, _L), jnp.float32),
            pltpu.VMEM((_FB, _L), jnp.float32),
            pltpu.VMEM((_FB, _L), jnp.float32),
            pltpu.VMEM((_FB, _L), jnp.float32),
        ],
    )
    def k(x_h, lab_h, rm_h, rv_h, cc_h, om_h, ov_h, oc_h,
          sum_t, ss_t, cnt_t, xv0, xv1, iv0, iv1, sx0, sx1, si0, si1,
          rm_b, rv_b, cc_b, om_b, ov_b, on_b):
        cid = lax.axis_index("c")
        sid = lax.axis_index("s")
        w = cid * _NS + sid
        cb = w * _W

        def x_cp(ci, buf, sem):
            return pltpu.make_async_copy(
                x_h.at[pl.ds(ci * _CH, _CH), pl.ds(cb, _W)], buf, sem
            )

        def l_cp(ci, buf, sem):
            return pltpu.make_async_copy(lab_h.at[pl.ds(ci * _CH, _CH)], buf, sem)

        x_cp(0, xv0, sx0).start()
        l_cp(0, iv0, si0).start()
        x_cp(1, xv1, sx1).start()
        l_cp(1, iv1, si1).start()

        zero = jnp.zeros((_L,), jnp.float32)

        @plsc.parallel_loop(0, _CP, unroll=8)
        def _(i):
            sl = pl.ds(i * _L, _L)
            sum_t[sl] = zero
            ss_t[sl] = zero
            cnt_t[sl] = zero

        one = jnp.ones((_L,), jnp.float32)
        lanes = lax.iota(jnp.int32, _L)

        def consume(ci, xvb, ivb):
            @plsc.parallel_loop(0, _CH, unroll=16)
            def _(i):
                lab = plsc.load_gather(ivb, [jnp.full((_L,), i, jnp.int32)])
                addr = lab * _L + lanes
                v = xvb[i, pl.ds(0, _W)]
                plsc.addupdate_scatter(sum_t, [addr], v)
                plsc.addupdate_scatter(ss_t, [addr], v * v)
                plsc.addupdate_scatter(cnt_t, [addr], one)

        def outer(cc, _):
            for b, (xvb, ivb, sxb, sib) in enumerate(
                ((xv0, iv0, sx0, si0), (xv1, iv1, sx1, si1))
            ):
                ci = 2 * cc + b
                x_cp(ci, xvb, sxb).wait()
                l_cp(ci, ivb, sib).wait()
                consume(ci, xvb, ivb)

                @pl.when(ci + 2 < _NCH)
                def _():
                    x_cp(ci + 2, xvb, sxb).start()
                    l_cp(ci + 2, ivb, sib).start()

            return 0

        lax.fori_loop(0, _NCH // 2, outer, 0)

        def blk(b, _):
            r0 = b * _FB
            pltpu.sync_copy(rm_h.at[pl.ds(r0, _FB), pl.ds(cb, _W)], rm_b)
            pltpu.sync_copy(rv_h.at[pl.ds(r0, _FB), pl.ds(cb, _W)], rv_b)
            pltpu.sync_copy(cc_h.at[pl.ds(r0, _FB)], cc_b)

            @plsc.parallel_loop(0, _FB, unroll=5)
            def _(i):
                r = r0 + i
                sl = pl.ds(r * _L, _L)
                nb = cnt_t[sl]
                na = cc_b[i, pl.ds(0, _L)]
                n = na + nb
                on_b[i, pl.ds(0, _L)] = n
                rn = 1.0 / jnp.maximum(n, 1.0)
                s_ = sum_t[sl]
                q_ = ss_t[sl]
                m_ = rm_b[i, pl.ds(0, _L)]
                v_ = rv_b[i, pl.ds(0, _L)]
                mean = (na * m_ + s_) * rn
                om_b[i, pl.ds(0, _L)] = mean
                ov_b[i, pl.ds(0, _L)] = (na * (v_ + m_ * m_) + q_) * rn - mean * mean
            pltpu.sync_copy(om_b, om_h.at[pl.ds(r0, _FB), pl.ds(cb, _W)])
            pltpu.sync_copy(ov_b, ov_h.at[pl.ds(r0, _FB), pl.ds(cb, _W)])

            @pl.when(w == 0)
            def _():
                pltpu.sync_copy(on_b, oc_h.at[pl.ds(r0, _FB)])

            return 0

        lax.fori_loop(0, _NFB, blk, 0)

    return k(x, labels, rm, rv, cc16)


def kernel(x, labels, running_mean, running_var, class_count):
    cc16 = jnp.pad(
        jnp.broadcast_to(class_count, (_C, _L)), ((0, _CP - _C), (0, 0))
    )
    um, uv, cn = _sc_stats(x, labels, running_mean, running_var, cc16)
    return um, uv, cn[:_C, :1]

# --- scband reference (transcript-rebuilt; emitter-appended) ---
"""Pipeline reference for scband-stats-hook-50388556317401 (READ-ONLY COPY).

The authoritative reference and input builder live on the scoring server;
editing this copy changes nothing except your own understanding.
"""

import jax, jax.numpy as jnp
import numpy as np

NUM_CLASSES = 1000
BATCH = 16384
D = 512


def _c_mean_var(x, labels, num_classes):
    # per-class (biased) mean/var via scatter-add segment sums
    ones = jnp.ones((x.shape[0],), dtype=x.dtype)
    cnt = jax.ops.segment_sum(ones, labels, num_segments=num_classes)          # [C]
    s = jax.ops.segment_sum(x, labels, num_segments=num_classes)               # [C, D]
    ss = jax.ops.segment_sum(x * x, labels, num_segments=num_classes)          # [C, D]
    cnt_r = cnt[:, None]                                                       # expand_as_r -> [C, 1]
    safe = jnp.maximum(cnt_r, 1.0)
    mean = jnp.where(cnt_r > 0, s / safe, 0.0)
    var = jnp.where(cnt_r > 0, ss / safe - mean ** 2, 0.0)
    return mean, var, cnt_r


def _combine_mean_var(mean_a, var_a, n_a, mean_b, var_b, n_b):
    n = n_a + n_b
    safe = jnp.maximum(n, 1.0)
    mean = jnp.where(n > 0, (n_a * mean_a + n_b * mean_b) / safe, 0.0)
    var = jnp.where(
        n > 0,
        (n_a * (var_a + mean_a ** 2) + n_b * (var_b + mean_b ** 2)) / safe - mean ** 2,
        0.0,
    )
    return mean, var, n


def setup_inputs(seed: int = 0) -> dict:
    key = jax.random.key(seed)
    k1, k2, k3, k4, k5 = jax.random.split(key, 5)
    x = jax.random.normal(k1, (BATCH, D), dtype=jnp.float32)
    labels = jax.random.randint(k2, (BATCH,), 0, NUM_CLASSES, dtype=jnp.int32)
    running_mean = jax.random.normal(k3, (NUM_CLASSES, D), dtype=jnp.float32)
    running_var = jax.random.uniform(k4, (NUM_CLASSES, D), dtype=jnp.float32, minval=0.1, maxval=1.0)
    class_count = jax.random.uniform(k5, (NUM_CLASSES, 1), dtype=jnp.float32, minval=1.0, maxval=100.0)
    return {
        "x": x,
        "labels": labels,
        "running_mean": running_mean,
        "running_var": running_var,
        "class_count": class_count,
    }


def reference(x, labels, running_mean, running_var, class_count):
    # StatsHook.hook_fn, tracking_stats=True branch (default):
    # new stats from detached activations, combined with running stats.
    xd = jax.lax.stop_gradient(x)  # x.detach()
    new_mean, new_var, m = _c_mean_var(xd, labels, NUM_CLASSES)
    upd_mean, upd_var, upd_count = _combine_mean_var(
        running_mean, running_var, class_count, new_mean, new_var, m
    )
    return (upd_mean, upd_var, upd_count)

if __name__ == "__main__":
    import jax
    _d = setup_inputs()
    print(jax.jit(kernel)(*tuple(_d.values())))

</pallas_src>

<mosaic_0001>
#map = affine_map<(d0, d1) -> (0, 0)>
#map1 = affine_map<(d0, d1) -> (0)>
module attributes {stable_mosaic.version = 14 : i64} {
  func.func @k(%arg0: i32, %arg1: i32, %arg2: memref<16384x512xf32, #tpu.memory_space<hbm>>, %arg3: memref<16384xi32, #tpu.memory_space<hbm>>, %arg4: memref<1000x512xf32, #tpu.memory_space<hbm>>, %arg5: memref<1000x512xf32, #tpu.memory_space<hbm>>, %arg6: memref<1024x16xf32, #tpu.memory_space<hbm>>, %arg7: memref<1000x512xf32, #tpu.memory_space<hbm>>, %arg8: memref<1000x512xf32, #tpu.memory_space<hbm>>, %arg9: memref<1024x16xf32, #tpu.memory_space<hbm>>, %arg10: memref<16384xf32, #tpu.memory_space<vmem>>, %arg11: memref<16384xf32, #tpu.memory_space<vmem>>, %arg12: memref<16384xf32, #tpu.memory_space<vmem>>, %arg13: memref<256x16xf32, #tpu.memory_space<vmem>>, %arg14: memref<256x16xf32, #tpu.memory_space<vmem>>, %arg15: memref<256xi32, #tpu.memory_space<vmem>>, %arg16: memref<256xi32, #tpu.memory_space<vmem>>, %arg17: memref<!tpu.dma_semaphore, #tpu.memory_space<semaphore_mem>>, %arg18: memref<!tpu.dma_semaphore, #tpu.memory_space<semaphore_mem>>, %arg19: memref<!tpu.dma_semaphore, #tpu.memory_space<semaphore_mem>>, %arg20: memref<!tpu.dma_semaphore, #tpu.memory_space<semaphore_mem>>, %arg21: memref<125x16xf32, #tpu.memory_space<vmem>>, %arg22: memref<125x16xf32, #tpu.memory_space<vmem>>, %arg23: memref<125x16xf32, #tpu.memory_space<vmem>>, %arg24: memref<125x16xf32, #tpu.memory_space<vmem>>, %arg25: memref<125x16xf32, #tpu.memory_space<vmem>>, %arg26: memref<125x16xf32, #tpu.memory_space<vmem>>) attributes {dimension_semantics = [#tpu.dimension_semantics<core_parallel>, #tpu.dimension_semantics<subcore_parallel>], iteration_bounds = array<i64: 2, 16>, scalar_prefetch = 0 : i64, scratch_operands = 17 : i64, tpu.core_type = #tpu.core_type<sc_vector_subcore>, window_params = [{transform_indices = #map}, {transform_indices = #map1}, {transform_indices = #map}, {transform_indices = #map}, {transform_indices = #map}, {transform_indices = #map}, {transform_indices = #map}, {transform_indices = #map}]} {
    %mul3A = arith.constant 16 : i32
    %mul3A_0 = arith.muli %arg0, %mul3A : i32
    %add3A = arith.addi %mul3A_0, %arg1 : i32
    %mul3A_1 = arith.constant 16 : i32
    %mul3A_2 = arith.muli %add3A, %mul3A_1 : i32
    %dma_start3A = arith.constant 0 : i32
    %dma_start3A_3 = tpu.memref_slice %arg2[%dma_start3A, %mul3A_2] : memref<16384x512xf32, #tpu.memory_space<hbm>> -> memref<256x16xf32, #tpu.memory_space<hbm>>
    %dma_start3A_4 = arith.constant 0 : i32
    %dma_start3A_5 = tpu.memref_slice %arg2[%dma_start3A_4, %mul3A_2] : memref<16384x512xf32, #tpu.memory_space<hbm>> -> memref<256x16xf32, #tpu.memory_space<hbm>>
    tpu.enqueue_dma source(%dma_start3A_5 : memref<256x16xf32, #tpu.memory_space<hbm>>) target(%arg13 : memref<256x16xf32, #tpu.memory_space<vmem>>) target_semaphore(%arg17 : memref<!tpu.dma_semaphore, #tpu.memory_space<semaphore_mem>>)
    %dma_start3A_6 = arith.constant 0 : i32
    %dma_start3A_7 = tpu.memref_slice %arg3[%dma_start3A_6] : memref<16384xi32, #tpu.memory_space<hbm>> -> memref<256xi32, #tpu.memory_space<hbm>>
    %dma_start3A_8 = arith.constant 0 : i32
    %dma_start3A_9 = tpu.memref_slice %arg3[%dma_start3A_8] : memref<16384xi32, #tpu.memory_space<hbm>> -> memref<256xi32, #tpu.memory_space<hbm>>
    tpu.enqueue_dma source(%dma_start3A_9 : memref<256xi32, #tpu.memory_space<hbm>>) target(%arg15 : memref<256xi32, #tpu.memory_space<vmem>>) target_semaphore(%arg19 : memref<!tpu.dma_semaphore, #tpu.memory_space<semaphore_mem>>)
    %dma_start3A_10 = arith.constant 256 : i32
    %dma_start3A_11 = tpu.memref_slice %arg2[%dma_start3A_10, %mul3A_2] : memref<16384x512xf32, #tpu.memory_space<hbm>> -> memref<256x16xf32, #tpu.memory_space<hbm>>
    %dma_start3A_12 = arith.constant 256 : i32
    %dma_start3A_13 = tpu.memref_slice %arg2[%dma_start3A_12, %mul3A_2] : memref<16384x512xf32, #tpu.memory_space<hbm>> -> memref<256x16xf32, #tpu.memory_space<hbm>>
    tpu.enqueue_dma source(%dma_start3A_13 : memref<256x16xf32, #tpu.memory_space<hbm>>) target(%arg14 : memref<256x16xf32, #tpu.memory_space<vmem>>) target_semaphore(%arg18 : memref<!tpu.dma_semaphore, #tpu.memory_space<semaphore_mem>>)
    %dma_start3A_14 = arith.constant 256 : i32
    %dma_start3A_15 = tpu.memref_slice %arg3[%dma_start3A_14] : memref<16384xi32, #tpu.memory_space<hbm>> -> memref<256xi32, #tpu.memory_space<hbm>>
    %dma_start3A_16 = arith.constant 256 : i32
    %dma_start3A_17 = tpu.memref_slice %arg3[%dma_start3A_16] : memref<16384xi32, #tpu.memory_space<hbm>> -> memref<256xi32, #tpu.memory_space<hbm>>
    tpu.enqueue_dma source(%dma_start3A_17 : memref<256xi32, #tpu.memory_space<hbm>>) target(%arg16 : memref<256xi32, #tpu.memory_space<vmem>>) target_semaphore(%arg20 : memref<!tpu.dma_semaphore, #tpu.memory_space<semaphore_mem>>)
    %broadcast_in_dim3A = arith.constant 0.000000e+00 : f32
    %broadcast_in_dim3A_18 = vector.broadcast %broadcast_in_dim3A : f32 to vector<16xf32>
    %parallel_loop3A = arith.constant 0 : i32
    %parallel_loop3A_19 = arith.constant 1024 : i32
    %parallel_loop3A_20 = arith.constant 1 : i32
    scf.for %parallel_loop3A_36 = %parallel_loop3A to %parallel_loop3A_19 step %parallel_loop3A_20  : i32 {
      %parallel_loop3A_37 = arith.constant 16 : i32
      %parallel_loop3A_38 = arith.muli %parallel_loop3A_36, %parallel_loop3A_37 : i32
      %parallel_loop3A_39 = arith.index_cast %parallel_loop3A_38 : i32 to index
      %parallel_loop3A_40 = tpu.vector_load %arg10[%parallel_loop3A_39] {strides = array<i32>} : memref<16384xf32, #tpu.memory_space<vmem>>, vector<16xf32>,
      tpu.vector_store %arg10[%parallel_loop3A_39], %broadcast_in_dim3A_18 {strides = array<i32>} : memref<16384xf32, #tpu.memory_space<vmem>>, vector<16xf32>,
      %parallel_loop3A_41 = arith.index_cast %parallel_loop3A_38 : i32 to index
      %parallel_loop3A_42 = tpu.vector_load %arg11[%parallel_loop3A_41] {strides = array<i32>} : memref<16384xf32, #tpu.memory_space<vmem>>, vector<16xf32>,
      tpu.vector_store %arg11[%parallel_loop3A_41], %broadcast_in_dim3A_18 {strides = array<i32>} : memref<16384xf32, #tpu.memory_space<vmem>>, vector<16xf32>,
      %parallel_loop3A_43 = arith.index_cast %parallel_loop3A_38 : i32 to index
      %parallel_loop3A_44 = tpu.vector_load %arg12[%parallel_loop3A_43] {strides = array<i32>} : memref<16384xf32, #tpu.memory_space<vmem>>, vector<16xf32>,
      tpu.vector_store %arg12[%parallel_loop3A_43], %broadcast_in_dim3A_18 {strides = array<i32>} : memref<16384xf32, #tpu.memory_space<vmem>>, vector<16xf32>,
    } {sc.loop_unroll_factor = 8 : i64, sc.parallel_access}
    %broadcast_in_dim3A_21 = arith.constant 1.000000e+00 : f32
    %broadcast_in_dim3A_22 = vector.broadcast %broadcast_in_dim3A_21 : f32 to vector<16xf32>
    %iota3A = tpu.iota {dimensions = array<i32: 0>} : vector<16xi32>
    %scan3A = arith.constant 0 : i32
    %scan3A_23 = arith.constant 0 : i32
    %scan3A_24 = arith.constant 32 : i32
    %scan3A_25 = arith.addi %scan3A_23, %scan3A_24 : i32
    %scan3A_26 = arith.constant 1 : i32
    %scan3A_27 = scf.for %scan3A_36 = %scan3A_23 to %scan3A_25 step %scan3A_26 iter_args(%scan3A_37 = %scan3A) -> (i32)  : i32 {
      %mul3A_38 = arith.constant 2 : i32
      %mul3A_39 = arith.muli %mul3A_38, %scan3A_36 : i32
      %add3A_40 = arith.constant 0 : i32
      %add3A_41 = arith.addi %mul3A_39, %add3A_40 : i32
      %mul3A_42 = arith.constant 256 : i32
      %mul3A_43 = arith.muli %add3A_41, %mul3A_42 : i32
      %dma_wait3A = tpu.memref_slice %arg2[%mul3A_43, %mul3A_2] : memref<16384x512xf32, #tpu.memory_space<hbm>> -> memref<256x16xf32, #tpu.memory_space<hbm>>
      %dma_wait3A_44 = tpu.memref_slice %arg2[%mul3A_43, %mul3A_2] : memref<16384x512xf32, #tpu.memory_space<hbm>> -> memref<256x16xf32, #tpu.memory_space<hbm>>
      tpu.wait_dma2 semaphore(%arg17 : memref<!tpu.dma_semaphore, #tpu.memory_space<semaphore_mem>>) src(%dma_wait3A_44 : memref<256x16xf32, #tpu.memory_space<hbm>>) dst(%arg13 : memref<256x16xf32, #tpu.memory_space<vmem>>)
      %mul3A_45 = arith.constant 256 : i32
      %mul3A_46 = arith.muli %add3A_41, %mul3A_45 : i32
      %dma_wait3A_47 = tpu.memref_slice %arg3[%mul3A_46] : memref<16384xi32, #tpu.memory_space<hbm>> -> memref<256xi32, #tpu.memory_space<hbm>>
      %dma_wait3A_48 = tpu.memref_slice %arg3[%mul3A_46] : memref<16384xi32, #tpu.memory_space<hbm>> -> memref<256xi32, #tpu.memory_space<hbm>>
      tpu.wait_dma2 semaphore(%arg19 : memref<!tpu.dma_semaphore, #tpu.memory_space<semaphore_mem>>) src(%dma_wait3A_48 : memref<256xi32, #tpu.memory_space<hbm>>) dst(%arg15 : memref<256xi32, #tpu.memory_space<vmem>>)
      %parallel_loop3A_49 = arith.constant 0 : i32
      %parallel_loop3A_50 = arith.constant 256 : i32
      %parallel_loop3A_51 = arith.constant 1 : i32
      scf.for %parallel_loop3A_79 = %parallel_loop3A_49 to %parallel_loop3A_50 step %parallel_loop3A_51  : i32 {
        %parallel_loop3A_80 = vector.broadcast %parallel_loop3A_79 : i32 to vector<16xi32>
        %parallel_loop3A_81 = tpu.vector_load_idx %arg15[%parallel_loop3A_80] : memref<256xi32, #tpu.memory_space<vmem>>[vector<16xi32>], vector<16xi32>,
        %parallel_loop3A_82 = arith.constant 16 : i32
        %parallel_loop3A_83 = vector.broadcast %parallel_loop3A_82 : i32 to vector<16xi32>
        %parallel_loop3A_84 = arith.muli %parallel_loop3A_81, %parallel_loop3A_83 : vector<16xi32>
        %parallel_loop3A_85 = arith.addi %parallel_loop3A_84, %iota3A : vector<16xi32>
        %parallel_loop3A_86 = arith.index_cast %parallel_loop3A_79 : i32 to index
        %parallel_loop3A_87 = arith.constant 0 : index
        %parallel_loop3A_88 = tpu.vector_load %arg13[%parallel_loop3A_86, %parallel_loop3A_87] {strides = array<i32>} : memref<256x16xf32, #tpu.memory_space<vmem>>, vector<16xf32>,
        tpu.vector_store_idx %arg10[%parallel_loop3A_85], %parallel_loop3A_88 {add = true} : memref<16384xf32, #tpu.memory_space<vmem>>[vector<16xi32>], vector<16xf32>,
        %parallel_loop3A_89 = arith.mulf %parallel_loop3A_88, %parallel_loop3A_88 : vector<16xf32>
        tpu.vector_store_idx %arg11[%parallel_loop3A_85], %parallel_loop3A_89 {add = true} : memref<16384xf32, #tpu.memory_space<vmem>>[vector<16xi32>], vector<16xf32>,
        tpu.vector_store_idx %arg12[%parallel_loop3A_85], %broadcast_in_dim3A_22 {add = true} : memref<16384xf32, #tpu.memory_space<vmem>>[vector<16xi32>], vector<16xf32>,
      } {sc.loop_unroll_factor = 16 : i64, sc.parallel_access}
      %add3A_52 = arith.constant 2 : i32
      %add3A_53 = arith.addi %add3A_41, %add3A_52 : i32
      %lt3A = arith.constant 64 : i32
      %lt3A_54 = arith.cmpi slt, %add3A_53, %lt3A : i32
      %convert_element_type3A = arith.extui %lt3A_54 : i1 to i32
      %cond3A = arith.constant 0 : i32
      %cond3A_55 = arith.cmpi ne, %convert_element_type3A, %cond3A : i32
      scf.if %cond3A_55 {
        %add3A_79 = arith.constant 2 : i32
        %add3A_80 = arith.addi %add3A_41, %add3A_79 : i32
        %mul3A_81 = arith.constant 256 : i32
        %mul3A_82 = arith.muli %add3A_80, %mul3A_81 : i32
        %dma_start3A_83 = tpu.memref_slice %arg2[%mul3A_82, %mul3A_2] : memref<16384x512xf32, #tpu.memory_space<hbm>> -> memref<256x16xf32, #tpu.memory_space<hbm>>
        %dma_start3A_84 = tpu.memref_slice %arg2[%mul3A_82, %mul3A_2] : memref<16384x512xf32, #tpu.memory_space<hbm>> -> memref<256x16xf32, #tpu.memory_space<hbm>>
        tpu.enqueue_dma source(%dma_start3A_84 : memref<256x16xf32, #tpu.memory_space<hbm>>) target(%arg13 : memref<256x16xf32, #tpu.memory_space<vmem>>) target_semaphore(%arg17 : memref<!tpu.dma_semaphore, #tpu.memory_space<semaphore_mem>>)
        %add3A_85 = arith.constant 2 : i32
        %add3A_86 = arith.addi %add3A_41, %add3A_85 : i32
        %mul3A_87 = arith.constant 256 : i32
        %mul3A_88 = arith.muli %add3A_86, %mul3A_87 : i32
        %dma_start3A_89 = tpu.memref_slice %arg3[%mul3A_88] : memref<16384xi32, #tpu.memory_space<hbm>> -> memref<256xi32, #tpu.memory_space<hbm>>
        %dma_start3A_90 = tpu.memref_slice %arg3[%mul3A_88] : memref<16384xi32, #tpu.memory_space<hbm>> -> memref<256xi32, #tpu.memory_space<hbm>>
        tpu.enqueue_dma source(%dma_start3A_90 : memref<256xi32, #tpu.memory_space<hbm>>) target(%arg15 : memref<256xi32, #tpu.memory_space<vmem>>) target_semaphore(%arg19 : memref<!tpu.dma_semaphore, #tpu.memory_space<semaphore_mem>>)
      } else {
      }
      %mul3A_56 = arith.constant 2 : i32
      %mul3A_57 = arith.muli %mul3A_56, %scan3A_36 : i32
      %add3A_58 = arith.constant 1 : i32
      %add3A_59 = arith.addi %mul3A_57, %add3A_58 : i32
      %mul3A_60 = arith.constant 256 : i32
      %mul3A_61 = arith.muli %add3A_59, %mul3A_60 : i32
      %dma_wait3A_62 = tpu.memref_slice %arg2[%mul3A_61, %mul3A_2] : memref<16384x512xf32, #tpu.memory_space<hbm>> -> memref<256x16xf32, #tpu.memory_space<hbm>>
      %dma_wait3A_63 = tpu.memref_slice %arg2[%mul3A_61, %mul3A_2] : memref<16384x512xf32, #tpu.memory_space<hbm>> -> memref<256x16xf32, #tpu.memory_space<hbm>>
      tpu.wait_dma2 semaphore(%arg18 : memref<!tpu.dma_semaphore, #tpu.memory_space<semaphore_mem>>) src(%dma_wait3A_63 : memref<256x16xf32, #tpu.memory_space<hbm>>) dst(%arg14 : memref<256x16xf32, #tpu.memory_space<vmem>>)
      %mul3A_64 = arith.constant 256 : i32
      %mul3A_65 = arith.muli %add3A_59, %mul3A_64 : i32
      %dma_wait3A_66 = tpu.memref_slice %arg3[%mul3A_65] : memref<16384xi32, #tpu.memory_space<hbm>> -> memref<256xi32, #tpu.memory_space<hbm>>
      %dma_wait3A_67 = tpu.memref_slice %arg3[%mul3A_65] : memref<16384xi32, #tpu.memory_space<hbm>> -> memref<256xi32, #tpu.memory_space<hbm>>
      tpu.wait_dma2 semaphore(%arg20 : memref<!tpu.dma_semaphore, #tpu.memory_space<semaphore_mem>>) src(%dma_wait3A_67 : memref<256xi32, #tpu.memory_space<hbm>>) dst(%arg16 : memref<256xi32, #tpu.memory_space<vmem>>)
      %parallel_loop3A_68 = arith.constant 0 : i32
      %parallel_loop3A_69 = arith.constant 256 : i32
      %parallel_loop3A_70 = arith.constant 1 : i32
      scf.for %parallel_loop3A_79 = %parallel_loop3A_68 to %parallel_loop3A_69 step %parallel_loop3A_70  : i32 {
        %parallel_loop3A_80 = vector.broadcast %parallel_loop3A_79 : i32 to vector<16xi32>
        %parallel_loop3A_81 = tpu.vector_load_idx %arg16[%parallel_loop3A_80] : memref<256xi32, #tpu.memory_space<vmem>>[vector<16xi32>], vector<16xi32>,
        %parallel_loop3A_82 = arith.constant 16 : i32
        %parallel_loop3A_83 = vector.broadcast %parallel_loop3A_82 : i32 to vector<16xi32>
        %parallel_loop3A_84 = arith.muli %parallel_loop3A_81, %parallel_loop3A_83 : vector<16xi32>
        %parallel_loop3A_85 = arith.addi %parallel_loop3A_84, %iota3A : vector<16xi32>
        %parallel_loop3A_86 = arith.index_cast %parallel_loop3A_79 : i32 to index
        %parallel_loop3A_87 = arith.constant 0 : index
        %parallel_loop3A_88 = tpu.vector_load %arg14[%parallel_loop3A_86, %parallel_loop3A_87] {strides = array<i32>} : memref<256x16xf32, #tpu.memory_space<vmem>>, vector<16xf32>,
        tpu.vector_store_idx %arg10[%parallel_loop3A_85], %parallel_loop3A_88 {add = true} : memref<16384xf32, #tpu.memory_space<vmem>>[vector<16xi32>], vector<16xf32>,
        %parallel_loop3A_89 = arith.mulf %parallel_loop3A_88, %parallel_loop3A_88 : vector<16xf32>
        tpu.vector_store_idx %arg11[%parallel_loop3A_85], %parallel_loop3A_89 {add = true} : memref<16384xf32, #tpu.memory_space<vmem>>[vector<16xi32>], vector<16xf32>,
        tpu.vector_store_idx %arg12[%parallel_loop3A_85], %broadcast_in_dim3A_22 {add = true} : memref<16384xf32, #tpu.memory_space<vmem>>[vector<16xi32>], vector<16xf32>,
      } {sc.loop_unroll_factor = 16 : i64, sc.parallel_access}
      %add3A_71 = arith.constant 2 : i32
      %add3A_72 = arith.addi %add3A_59, %add3A_71 : i32
      %lt3A_73 = arith.constant 64 : i32
      %lt3A_74 = arith.cmpi slt, %add3A_72, %lt3A_73 : i32
      %convert_element_type3A_75 = arith.extui %lt3A_74 : i1 to i32
      %cond3A_76 = arith.constant 0 : i32
      %cond3A_77 = arith.cmpi ne, %convert_element_type3A_75, %cond3A_76 : i32
      scf.if %cond3A_77 {
        %add3A_79 = arith.constant 2 : i32
        %add3A_80 = arith.addi %add3A_59, %add3A_79 : i32
        %mul3A_81 = arith.constant 256 : i32
        %mul3A_82 = arith.muli %add3A_80, %mul3A_81 : i32
        %dma_start3A_83 = tpu.memref_slice %arg2[%mul3A_82, %mul3A_2] : memref<16384x512xf32, #tpu.memory_space<hbm>> -> memref<256x16xf32, #tpu.memory_space<hbm>>
        %dma_start3A_84 = tpu.memref_slice %arg2[%mul3A_82, %mul3A_2] : memref<16384x512xf32, #tpu.memory_space<hbm>> -> memref<256x16xf32, #tpu.memory_space<hbm>>
        tpu.enqueue_dma source(%dma_start3A_84 : memref<256x16xf32, #tpu.memory_space<hbm>>) target(%arg14 : memref<256x16xf32, #tpu.memory_space<vmem>>) target_semaphore(%arg18 : memref<!tpu.dma_semaphore, #tpu.memory_space<semaphore_mem>>)
        %add3A_85 = arith.constant 2 : i32
        %add3A_86 = arith.addi %add3A_59, %add3A_85 : i32
        %mul3A_87 = arith.constant 256 : i32
        %mul3A_88 = arith.muli %add3A_86, %mul3A_87 : i32
        %dma_start3A_89 = tpu.memref_slice %arg3[%mul3A_88] : memref<16384xi32, #tpu.memory_space<hbm>> -> memref<256xi32, #tpu.memory_space<hbm>>
        %dma_start3A_90 = tpu.memref_slice %arg3[%mul3A_88] : memref<16384xi32, #tpu.memory_space<hbm>> -> memref<256xi32, #tpu.memory_space<hbm>>
        tpu.enqueue_dma source(%dma_start3A_90 : memref<256xi32, #tpu.memory_space<hbm>>) target(%arg16 : memref<256xi32, #tpu.memory_space<vmem>>) target_semaphore(%arg20 : memref<!tpu.dma_semaphore, #tpu.memory_space<semaphore_mem>>)
      } else {
      }
      %scan3A_78 = arith.constant 0 : i32
      scf.yield %scan3A_78 : i32
    }
    %scan3A_28 = arith.constant 32 : i32
    %scan3A_29 = arith.constant 0 : i32
    %scan3A_30 = arith.constant 0 : i32
    %scan3A_31 = arith.constant 8 : i32
    %scan3A_32 = arith.addi %scan3A_30, %scan3A_31 : i32
    %scan3A_33 = arith.constant 1 : i32
    %scan3A_34 = scf.for %scan3A_36 = %scan3A_30 to %scan3A_32 step %scan3A_33 iter_args(%scan3A_37 = %scan3A_29) -> (i32)  : i32 {
      %mul3A_38 = arith.constant 125 : i32
      %mul3A_39 = arith.muli %scan3A_36, %mul3A_38 : i32
      "tpu.region"() ({
        %run_scoped3A = tpu.sem_alloc : memref<!tpu.dma_semaphore, #tpu.memory_space<semaphore_mem>>
        %dma_start3A_46 = tpu.memref_slice %arg4[%mul3A_39, %mul3A_2] : memref<1000x512xf32, #tpu.memory_space<hbm>> -> memref<125x16xf32, #tpu.memory_space<hbm>>
        %dma_start3A_47 = tpu.memref_slice %arg4[%mul3A_39, %mul3A_2] : memref<1000x512xf32, #tpu.memory_space<hbm>> -> memref<125x16xf32, #tpu.memory_space<hbm>>
        tpu.enqueue_dma source(%dma_start3A_47 : memref<125x16xf32, #tpu.memory_space<hbm>>) target(%arg21 : memref<125x16xf32, #tpu.memory_space<vmem>>) target_semaphore(%run_scoped3A : memref<!tpu.dma_semaphore, #tpu.memory_space<semaphore_mem>>)
        %dma_wait3A = tpu.memref_slice %arg4[%mul3A_39, %mul3A_2] : memref<1000x512xf32, #tpu.memory_space<hbm>> -> memref<125x16xf32, #tpu.memory_space<hbm>>
        %dma_wait3A_48 = tpu.memref_slice %arg4[%mul3A_39, %mul3A_2] : memref<1000x512xf32, #tpu.memory_space<hbm>> -> memref<125x16xf32, #tpu.memory_space<hbm>>
        tpu.wait_dma2 semaphore(%run_scoped3A : memref<!tpu.dma_semaphore, #tpu.memory_space<semaphore_mem>>) src(%dma_wait3A_48 : memref<125x16xf32, #tpu.memory_space<hbm>>) dst(%arg21 : memref<125x16xf32, #tpu.memory_space<vmem>>)
        tpu.yield
      }) : () -> ()
      "tpu.region"() ({
        %run_scoped3A = tpu.sem_alloc : memref<!tpu.dma_semaphore, #tpu.memory_space<semaphore_mem>>
        %dma_start3A_46 = tpu.memref_slice %arg5[%mul3A_39, %mul3A_2] : memref<1000x512xf32, #tpu.memory_space<hbm>> -> memref<125x16xf32, #tpu.memory_space<hbm>>
        %dma_start3A_47 = tpu.memref_slice %arg5[%mul3A_39, %mul3A_2] : memref<1000x512xf32, #tpu.memory_space<hbm>> -> memref<125x16xf32, #tpu.memory_space<hbm>>
        tpu.enqueue_dma source(%dma_start3A_47 : memref<125x16xf32, #tpu.memory_space<hbm>>) target(%arg22 : memref<125x16xf32, #tpu.memory_space<vmem>>) target_semaphore(%run_scoped3A : memref<!tpu.dma_semaphore, #tpu.memory_space<semaphore_mem>>)
        %dma_wait3A = tpu.memref_slice %arg5[%mul3A_39, %mul3A_2] : memref<1000x512xf32, #tpu.memory_space<hbm>> -> memref<125x16xf32, #tpu.memory_space<hbm>>
        %dma_wait3A_48 = tpu.memref_slice %arg5[%mul3A_39, %mul3A_2] : memref<1000x512xf32, #tpu.memory_space<hbm>> -> memref<125x16xf32, #tpu.memory_space<hbm>>
        tpu.wait_dma2 semaphore(%run_scoped3A : memref<!tpu.dma_semaphore, #tpu.memory_space<semaphore_mem>>) src(%dma_wait3A_48 : memref<125x16xf32, #tpu.memory_space<hbm>>) dst(%arg22 : memref<125x16xf32, #tpu.memory_space<vmem>>)
        tpu.yield
      }) : () -> ()
      "tpu.region"() ({
        %run_scoped3A = tpu.sem_alloc : memref<!tpu.dma_semaphore, #tpu.memory_space<semaphore_mem>>
        %dma_start3A_46 = arith.constant 0 : i32
        %dma_start3A_47 = tpu.memref_slice %arg6[%mul3A_39, %dma_start3A_46] : memref<1024x16xf32, #tpu.memory_space<hbm>> -> memref<125x16xf32, #tpu.memory_space<hbm>>
        %dma_start3A_48 = arith.constant 0 : i32
        %dma_start3A_49 = tpu.memref_slice %arg6[%mul3A_39, %dma_start3A_48] : memref<1024x16xf32, #tpu.memory_space<hbm>> -> memref<125x16xf32, #tpu.memory_space<hbm>>
        tpu.enqueue_dma source(%dma_start3A_49 : memref<125x16xf32, #tpu.memory_space<hbm>>) target(%arg23 : memref<125x16xf32, #tpu.memory_space<vmem>>) target_semaphore(%run_scoped3A : memref<!tpu.dma_semaphore, #tpu.memory_space<semaphore_mem>>)
        %dma_wait3A = arith.constant 0 : i32
        %dma_wait3A_50 = tpu.memref_slice %arg6[%mul3A_39, %dma_wait3A] : memref<1024x16xf32, #tpu.memory_space<hbm>> -> memref<125x16xf32, #tpu.memory_space<hbm>>
        %dma_wait3A_51 = arith.constant 0 : i32
        %dma_wait3A_52 = tpu.memref_slice %arg6[%mul3A_39, %dma_wait3A_51] : memref<1024x16xf32, #tpu.memory_space<hbm>> -> memref<125x16xf32, #tpu.memory_space<hbm>>
        tpu.wait_dma2 semaphore(%run_scoped3A : memref<!tpu.dma_semaphore, #tpu.memory_space<semaphore_mem>>) src(%dma_wait3A_52 : memref<125x16xf32, #tpu.memory_space<hbm>>) dst(%arg23 : memref<125x16xf32, #tpu.memory_space<vmem>>)
        tpu.yield
      }) : () -> ()
      %parallel_loop3A_40 = arith.constant 0 : i32
      %parallel_loop3A_41 = arith.constant 125 : i32
      %parallel_loop3A_42 = arith.constant 1 : i32
      scf.for %parallel_loop3A_46 = %parallel_loop3A_40 to %parallel_loop3A_41 step %parallel_loop3A_42  : i32 {
        %parallel_loop3A_47 = arith.addi %mul3A_39, %parallel_loop3A_46 : i32
        %parallel_loop3A_48 = arith.constant 16 : i32
        %parallel_loop3A_49 = arith.muli %parallel_loop3A_47, %parallel_loop3A_48 : i32
        %parallel_loop3A_50 = arith.index_cast %parallel_loop3A_49 : i32 to index
        %parallel_loop3A_51 = tpu.vector_load %arg12[%parallel_loop3A_50] {strides = array<i32>} : memref<16384xf32, #tpu.memory_space<vmem>>, vector<16xf32>,
        %parallel_loop3A_52 = arith.index_cast %parallel_loop3A_46 : i32 to index
        %parallel_loop3A_53 = arith.constant 0 : index
        %parallel_loop3A_54 = tpu.vector_load %arg23[%parallel_loop3A_52, %parallel_loop3A_53] {strides = array<i32>} : memref<125x16xf32, #tpu.memory_space<vmem>>, vector<16xf32>,
        %parallel_loop3A_55 = arith.addf %parallel_loop3A_54, %parallel_loop3A_51 : vector<16xf32>
        %parallel_loop3A_56 = arith.index_cast %parallel_loop3A_46 : i32 to index
        %parallel_loop3A_57 = arith.constant 0 : index
        %parallel_loop3A_58 = tpu.vector_load %arg26[%parallel_loop3A_56, %parallel_loop3A_57] {strides = array<i32>} : memref<125x16xf32, #tpu.memory_space<vmem>>, vector<16xf32>,
        tpu.vector_store %arg26[%parallel_loop3A_56, %parallel_loop3A_57], %parallel_loop3A_55 {strides = array<i32>} : memref<125x16xf32, #tpu.memory_space<vmem>>, vector<16xf32>,
        %parallel_loop3A_59 = arith.constant 1.000000e+00 : f32
        %parallel_loop3A_60 = vector.broadcast %parallel_loop3A_59 : f32 to vector<16xf32>
        %parallel_loop3A_61 = arith.maximumf %parallel_loop3A_55, %parallel_loop3A_60 : vector<16xf32>
        %parallel_loop3A_62 = arith.constant 1.000000e+00 : f32
        %parallel_loop3A_63 = vector.broadcast %parallel_loop3A_62 : f32 to vector<16xf32>
        %parallel_loop3A_64 = arith.divf %parallel_loop3A_63, %parallel_loop3A_61 : vector<16xf32>
        %parallel_loop3A_65 = arith.index_cast %parallel_loop3A_49 : i32 to index
        %parallel_loop3A_66 = tpu.vector_load %arg10[%parallel_loop3A_65] {strides = array<i32>} : memref<16384xf32, #tpu.memory_space<vmem>>, vector<16xf32>,
        %parallel_loop3A_67 = arith.index_cast %parallel_loop3A_49 : i32 to index
        %parallel_loop3A_68 = tpu.vector_load %arg11[%parallel_loop3A_67] {strides = array<i32>} : memref<16384xf32, #tpu.memory_space<vmem>>, vector<16xf32>,
        %parallel_loop3A_69 = arith.index_cast %parallel_loop3A_46 : i32 to index
        %parallel_loop3A_70 = arith.constant 0 : index
        %parallel_loop3A_71 = tpu.vector_load %arg21[%parallel_loop3A_69, %parallel_loop3A_70] {strides = array<i32>} : memref<125x16xf32, #tpu.memory_space<vmem>>, vector<16xf32>,
        %parallel_loop3A_72 = arith.index_cast %parallel_loop3A_46 : i32 to index
        %parallel_loop3A_73 = arith.constant 0 : index
        %parallel_loop3A_74 = tpu.vector_load %arg22[%parallel_loop3A_72, %parallel_loop3A_73] {strides = array<i32>} : memref<125x16xf32, #tpu.memory_space<vmem>>, vector<16xf32>,
        %parallel_loop3A_75 = arith.mulf %parallel_loop3A_54, %parallel_loop3A_71 : vector<16xf32>
        %parallel_loop3A_76 = arith.addf %parallel_loop3A_75, %parallel_loop3A_66 : vector<16xf32>
        %parallel_loop3A_77 = arith.mulf %parallel_loop3A_76, %parallel_loop3A_64 : vector<16xf32>
        %parallel_loop3A_78 = arith.index_cast %parallel_loop3A_46 : i32 to index
        %parallel_loop3A_79 = arith.constant 0 : index
        %parallel_loop3A_80 = tpu.vector_load %arg24[%parallel_loop3A_78, %parallel_loop3A_79] {strides = array<i32>} : memref<125x16xf32, #tpu.memory_space<vmem>>, vector<16xf32>,
        tpu.vector_store %arg24[%parallel_loop3A_78, %parallel_loop3A_79], %parallel_loop3A_77 {strides = array<i32>} : memref<125x16xf32, #tpu.memory_space<vmem>>, vector<16xf32>,
        %parallel_loop3A_81 = arith.mulf %parallel_loop3A_71, %parallel_loop3A_71 : vector<16xf32>
        %parallel_loop3A_82 = arith.addf %parallel_loop3A_74, %parallel_loop3A_81 : vector<16xf32>
        %parallel_loop3A_83 = arith.mulf %parallel_loop3A_54, %parallel_loop3A_82 : vector<16xf32>
        %parallel_loop3A_84 = arith.addf %parallel_loop3A_83, %parallel_loop3A_68 : vector<16xf32>
        %parallel_loop3A_85 = arith.mulf %parallel_loop3A_84, %parallel_loop3A_64 : vector<16xf32>
        %parallel_loop3A_86 = arith.mulf %parallel_loop3A_77, %parallel_loop3A_77 : vector<16xf32>
        %parallel_loop3A_87 = arith.subf %parallel_loop3A_85, %parallel_loop3A_86 : vector<16xf32>
        %parallel_loop3A_88 = arith.index_cast %parallel_loop3A_46 : i32 to index
        %parallel_loop3A_89 = arith.constant 0 : index
        %parallel_loop3A_90 = tpu.vector_load %arg25[%parallel_loop3A_88, %parallel_loop3A_89] {strides = array<i32>} : memref<125x16xf32, #tpu.memory_space<vmem>>, vector<16xf32>,
        tpu.vector_store %arg25[%parallel_loop3A_88, %parallel_loop3A_89], %parallel_loop3A_87 {strides = array<i32>} : memref<125x16xf32, #tpu.memory_space<vmem>>, vector<16xf32>,
      } {sc.loop_unroll_factor = 5 : i64, sc.parallel_access}
      "tpu.region"() ({
        %run_scoped3A = tpu.sem_alloc : memref<!tpu.dma_semaphore, #tpu.memory_space<semaphore_mem>>
        %dma_start3A_46 = tpu.memref_slice %arg7[%mul3A_39, %mul3A_2] : memref<1000x512xf32, #tpu.memory_space<hbm>> -> memref<125x16xf32, #tpu.memory_space<hbm>>
        %dma_start3A_47 = tpu.memref_slice %arg7[%mul3A_39, %mul3A_2] : memref<1000x512xf32, #tpu.memory_space<hbm>> -> memref<125x16xf32, #tpu.memory_space<hbm>>
        tpu.enqueue_dma source(%arg24 : memref<125x16xf32, #tpu.memory_space<vmem>>) target(%dma_start3A_47 : memref<125x16xf32, #tpu.memory_space<hbm>>) target_semaphore(%run_scoped3A : memref<!tpu.dma_semaphore, #tpu.memory_space<semaphore_mem>>)
        %dma_wait3A = tpu.memref_slice %arg7[%mul3A_39, %mul3A_2] : memref<1000x512xf32, #tpu.memory_space<hbm>> -> memref<125x16xf32, #tpu.memory_space<hbm>>
        %dma_wait3A_48 = tpu.memref_slice %arg7[%mul3A_39, %mul3A_2] : memref<1000x512xf32, #tpu.memory_space<hbm>> -> memref<125x16xf32, #tpu.memory_space<hbm>>
        tpu.wait_dma2 semaphore(%run_scoped3A : memref<!tpu.dma_semaphore, #tpu.memory_space<semaphore_mem>>) src(%arg24 : memref<125x16xf32, #tpu.memory_space<vmem>>) dst(%dma_wait3A_48 : memref<125x16xf32, #tpu.memory_space<hbm>>)
        tpu.yield
      }) : () -> ()
      "tpu.region"() ({
        %run_scoped3A = tpu.sem_alloc : memref<!tpu.dma_semaphore, #tpu.memory_space<semaphore_mem>>
        %dma_start3A_46 = tpu.memref_slice %arg8[%mul3A_39, %mul3A_2] : memref<1000x512xf32, #tpu.memory_space<hbm>> -> memref<125x16xf32, #tpu.memory_space<hbm>>
        %dma_start3A_47 = tpu.memref_slice %arg8[%mul3A_39, %mul3A_2] : memref<1000x512xf32, #tpu.memory_space<hbm>> -> memref<125x16xf32, #tpu.memory_space<hbm>>
        tpu.enqueue_dma source(%arg25 : memref<125x16xf32, #tpu.memory_space<vmem>>) target(%dma_start3A_47 : memref<125x16xf32, #tpu.memory_space<hbm>>) target_semaphore(%run_scoped3A : memref<!tpu.dma_semaphore, #tpu.memory_space<semaphore_mem>>)
        %dma_wait3A = tpu.memref_slice %arg8[%mul3A_39, %mul3A_2] : memref<1000x512xf32, #tpu.memory_space<hbm>> -> memref<125x16xf32, #tpu.memory_space<hbm>>
        %dma_wait3A_48 = tpu.memref_slice %arg8[%mul3A_39, %mul3A_2] : memref<1000x512xf32, #tpu.memory_space<hbm>> -> memref<125x16xf32, #tpu.memory_space<hbm>>
        tpu.wait_dma2 semaphore(%run_scoped3A : memref<!tpu.dma_semaphore, #tpu.memory_space<semaphore_mem>>) src(%arg25 : memref<125x16xf32, #tpu.memory_space<vmem>>) dst(%dma_wait3A_48 : memref<125x16xf32, #tpu.memory_space<hbm>>)
        tpu.yield
      }) : () -> ()
      %eq3A = arith.constant 0 : i32
      %eq3A_43 = arith.cmpi eq, %add3A, %eq3A : i32
      %convert_element_type3A = arith.extui %eq3A_43 : i1 to i32
      %cond3A = arith.constant 0 : i32
      %cond3A_44 = arith.cmpi ne, %convert_element_type3A, %cond3A : i32
      scf.if %cond3A_44 {
        "tpu.region"() ({
          %run_scoped3A = tpu.sem_alloc : memref<!tpu.dma_semaphore, #tpu.memory_space<semaphore_mem>>
          %dma_start3A_46 = arith.constant 0 : i32
          %dma_start3A_47 = tpu.memref_slice %arg9[%mul3A_39, %dma_start3A_46] : memref<1024x16xf32, #tpu.memory_space<hbm>> -> memref<125x16xf32, #tpu.memory_space<hbm>>
          %dma_start3A_48 = arith.constant 0 : i32
          %dma_start3A_49 = tpu.memref_slice %arg9[%mul3A_39, %dma_start3A_48] : memref<1024x16xf32, #tpu.memory_space<hbm>> -> memref<125x16xf32, #tpu.memory_space<hbm>>
          tpu.enqueue_dma source(%arg26 : memref<125x16xf32, #tpu.memory_space<vmem>>) target(%dma_start3A_49 : memref<125x16xf32, #tpu.memory_space<hbm>>) target_semaphore(%run_scoped3A : memref<!tpu.dma_semaphore, #tpu.memory_space<semaphore_mem>>)
          %dma_wait3A = arith.constant 0 : i32
          %dma_wait3A_50 = tpu.memref_slice %arg9[%mul3A_39, %dma_wait3A] : memref<1024x16xf32, #tpu.memory_space<hbm>> -> memref<125x16xf32, #tpu.memory_space<hbm>>
          %dma_wait3A_51 = arith.constant 0 : i32
          %dma_wait3A_52 = tpu.memref_slice %arg9[%mul3A_39, %dma_wait3A_51] : memref<1024x16xf32, #tpu.memory_space<hbm>> -> memref<125x16xf32, #tpu.memory_space<hbm>>
          tpu.wait_dma2 semaphore(%run_scoped3A : memref<!tpu.dma_semaphore, #tpu.memory_space<semaphore_mem>>) src(%arg26 : memref<125x16xf32, #tpu.memory_space<vmem>>) dst(%dma_wait3A_52 : memref<125x16xf32, #tpu.memory_space<hbm>>)
          tpu.yield
        }) : () -> ()
      } else {
      }
      %scan3A_45 = arith.constant 0 : i32
      scf.yield %scan3A_45 : i32
    }
    %scan3A_35 = arith.constant 8 : i32
    return
  }
}

</mosaic_0001>

<sc_bundles>
// kernel: kernel.3.cloned.1.call-start
scs
__scs_entry_jumppad:
0x0: {  	(pc) =	sbr.rel $0x88, $3  }
0x1: {  	(tag) =	ssettag $0x0;
	lr =	simm.s32 $0x1  }
0x2: {  	[smem:$0x3F9C] =	sst lr;
	_ =	strace $0xD0000000  }
0x3: {  	_ = 	snop  }
0x4: {  	_ = 	snop  }
0x5: {  	_ = 	snop  }
0x6: {  	_ = 	snop  }
0x7: {  	_ = 	snop  }
__scs_overlays_trampoline_lowered:
0x8: {  	[smem:$0x3FAB] =	sst s0  }
0x9: {  	[smem:$0x3FAC] =	sst s1  }
0xa: {  	[smem:$0x3FAD] =	sst s2  }
0xb: {  	[smem:$0x3FAE] =	sst s3  }
0xc: {  	[smem:$0x3FAF] =	sst s4  }
0xd: {  	[smem:$0x3FB0] =	sst s5  }
0xe: {  	[smem:$0x3FB1] =	sst s6  }
0xf: {  	[smem:$0x3FB2] =	sst s7  }
0x10: {  	[smem:$0x3FB3] =	sst s8  }
0x11: {  	[smem:$0x3FB4] =	sst s9;
	s0 =	simm.s32 @!p0 $0x0  }
0x12: {  	s1 =	sld [smem:$0x3F9A];
	s0 =	simm.s32 @p0 $0x1  }
0x13: {  	[smem:$0x3FB5] =	sst s0;
	s0 =	simm.s32 @!p1 $0x0  }
0x14: {  	s2 =	sld [smem:$0x3F99];
	s0 =	simm.s32 @p1 $0x1  }
0x15: {  	[smem:$0x3FB6] =	sst s0;
	s0 =	simm.s32 @!p2 $0x0  }
0x16: {  	s3 =	sld [smem:$0x3FDB];
	s0 =	simm.s32 @p2 $0x1  }
0x17: {  	s4 =	simm.s32 $0x1BF5;
	[smem:$0x3FB8] =	sst s0  }
0x18: {  	s0 =	sld [smem:$0x3F9B];
	_ =	swait.ge [sflag:s4], $0x0  }
0x19: {  	s7 =	sld [smem:$0x3F9C]  }
0x1a: {  	s8 =	sadd.s32 $0xFFFFE003, lr  }
0x1b: {  	s9 =	sadd.s32 $0xFFFFFEF7, lr;
	s5 =	simm.s32 $0xFFFFFFFF;
	p2 =	slt.u32 s8, $0xFFFFF086  }
0x1c: {  	p1 =	slt.u32 s9, $0xF7A;
	s5 =	simm.s32 @!p2 $0x0  }
0x1d: {  	s5 =	simm.s32 @p1 $0x1;
	p0 =	seq.s32 s7, s2  }
0x1e: {  	s7 =	smul.u32 @!p0 $0xF7A, s2;
	p2 =	seq.s32 @!p0 s5, $0x0  }
0x1f: {  	s9 =	smul.u32 $0xF7A, s1;
	s8 =	simm.s32 @!p0 $0x1BF5;
	p2 =	por !p2, p0  }
0x20: {  	[sflag:s8] =	ssyncset.s32 @!p0 $0xFFFFF086;
	s6 =	sadd.s32 @!p0 s3, s7;
	s7 =	simm.s32 @!p0 $0x108  }
0x21: {  	s3 =	sadd.s32 s3, s9;
	s6 =	sadd.s32 @!p0 $0x88, s6;
	s7 =	simm.s32 @p2 $0x1082  }
0x22: {  	[simem:s7], [sflag:s8] =	dma.local @!p0 [hbm:s6], $0xF7A  }
0x23: {  	s9 =	sor.u32 $0xD0000000, s2;
	s6 =	simm.s32 $0x108;
	_ =	swait.ge @!p0 [sflag:s8], $0x0  }
0x24: {  	s3 =	sadd.s32 $0x88, s3;
	s6 =	simm.s32 @!p1 $0x1082;
	[sflag:s4] =	ssyncset.s32 $0xFFFFF086  }
0x25: {  	[simem:s6], [sflag:s4] =	dma.local [hbm:s3], $0xF7A  }
0x26: {  	[smem:$0x3F9C] =	sst s1;
	(tag) =	ssettag s2;
	_ =	strace s9  }
0x27: {  	s1 =	sld [smem:$0x3FAC]  }
0x28: {  	s2 =	sld [smem:$0x3FAD]  }
0x29: {  	s4 =	sld [smem:$0x3FAF]  }
0x2a: {  	p0 =	seq.s32 s5, $0x0;
	s5 =	sld [smem:$0x3FB0]  }
0x2b: {  	s6 =	sld [smem:$0x3FB1]  }
0x2c: {  	s7 =	sld [smem:$0x3FB2]  }
0x2d: {  	s3 =	simm.s32 $0x108;
	s8 =	sld [smem:$0x3FB3]  }
0x2e: {  	s3 =	simm.s32 @!p0 $0x1082;
	s9 =	sld [smem:$0x3FB4]  }
0x2f: {  	lr =	sadd.s32 s0, s3;
	s0 =	sld [smem:$0x3FAB]  }
0x30: {  	s3 =	sld [smem:$0x3FAE]  }
0x31: {  	[smem:$0x3FB7] =	sst s10  }
0x32: {  	s10 =	sld [smem:$0x3FB5];
	_ =	sdelay $0x3  }
0x33: {  	p0 =	seq.s32 s10, $0x1;
	s10 =	sld [smem:$0x3FB7];
	_ =	sdelay $0x3  }
0x34: {  	[smem:$0x3FB7] =	sst s10  }
0x35: {  	s10 =	sld [smem:$0x3FB6];
	_ =	sdelay $0x3  }
0x36: {  	p1 =	seq.s32 s10, $0x1;
	s10 =	sld [smem:$0x3FB7];
	_ =	sdelay $0x3  }
0x37: {  	[smem:$0x3FB7] =	sst s10  }
0x38: {  	s10 =	sld [smem:$0x3FB8]  }
0x39: {  	_ = 	snop;
	(pc) =	sbr.ind lr, $3  }
0x3a: {  	_ = 	snop  }
0x3b: {  	_ = 	snop  }
0x3c: {  	p2 =	seq.s32 s10, $0x1;
	s10 =	sld [smem:$0x3FB7]  }
0x3d: {  	_ =	shalt  }
0x3e: {  	_ =	shalt  }
0x3f: {  	_ =	shalt  }
0x40: {  	_ =	shalt  }
0x41: {  	_ =	shalt  }
0x42: {  	_ =	shalt  }
0x43: {  	_ =	shalt  }
0x44: {  	_ =	shalt  }
0x45: {  	_ =	shalt  }
0x46: {  	_ =	shalt  }
0x47: {  	_ =	shalt  }
0x48: {  	_ =	shalt  }
0x49: {  	_ =	shalt  }
0x4a: {  	_ =	shalt  }
0x4b: {  	_ =	shalt  }
0x4c: {  	_ =	shalt  }
0x4d: {  	_ =	shalt  }
0x4e: {  	_ =	shalt  }
0x4f: {  	_ =	shalt  }
0x50: {  	_ =	shalt  }
0x51: {  	_ =	shalt  }
0x52: {  	_ =	shalt  }
0x53: {  	_ =	shalt  }
0x54: {  	_ =	shalt  }
0x55: {  	_ =	shalt  }
0x56: {  	_ =	shalt  }
0x57: {  	_ =	shalt  }
0x58: {  	_ =	shalt  }
0x59: {  	_ =	shalt  }
0x5a: {  	_ =	shalt  }
0x5b: {  	_ =	shalt  }
0x5c: {  	_ =	shalt  }
0x5d: {  	_ =	shalt  }
0x5e: {  	_ =	shalt  }
0x5f: {  	_ =	shalt  }
0x60: {  	_ =	shalt  }
0x61: {  	_ =	shalt  }
0x62: {  	_ =	shalt  }
0x63: {  	_ =	shalt  }
0x64: {  	_ =	shalt  }
0x65: {  	_ =	shalt  }
0x66: {  	_ =	shalt  }
0x67: {  	_ =	shalt  }
0x68: {  	_ =	shalt  }
0x69: {  	_ =	shalt  }
0x6a: {  	_ =	shalt  }
0x6b: {  	_ =	shalt  }
0x6c: {  	_ =	shalt  }
0x6d: {  	_ =	shalt  }
0x6e: {  	_ =	shalt  }
0x6f: {  	_ =	shalt  }
0x70: {  	_ =	shalt  }
0x71: {  	_ =	shalt  }
0x72: {  	_ =	shalt  }
0x73: {  	_ =	shalt  }
0x74: {  	_ =	shalt  }
0x75: {  	_ =	shalt  }
0x76: {  	_ =	shalt  }
0x77: {  	_ =	shalt  }
0x78: {  	_ =	shalt  }
0x79: {  	_ =	shalt  }
0x7a: {  	_ =	shalt  }
0x7b: {  	_ =	shalt  }
0x7c: {  	_ =	shalt  }
0x7d: {  	_ =	shalt  }
0x7e: {  	_ =	shalt  }
0x7f: {  	_ =	shalt  }
0x80: {  	_ =	shalt  }
0x81: {  	_ =	shalt  }
0x82: {  	_ =	shalt  }
0x83: {  	_ =	shalt  }
0x84: {  	_ =	shalt  }
0x85: {  	_ =	shalt  }
0x86: {  	_ =	shalt  }
0x87: {  	_ =	shalt  }
.Lfunc_end0:
.L_simem_size_0:
called_computation.1_lowered:
.L_overlay_start_0:
0x88: {  	s2 =	sld [smem:$0x3FD9]  }
0x89: {  	s3 =	sld [smem:$0x3FFE];
	_ =	sdelay $0x1  }
0x8a: {  	s1 =	srdreg.scid  }
0x8b: {  	s0 =	sand.u32 $0x1, s1  }
0x8c: {  	s14 =	sshll.u32 s0, $0xA;
	s2 =	sadd.s32 s3, s2  }
0x8d: {  	s2 =	sadd.s32 s2, s14  }
0x8e: {  	[smem:$0x3FC3] =	sst s2  }
0x8f: {  	_ = 	snop  }
0x90: {  	s2 =	sld [smem:$0x3FD0];
	_ =	sdelay $0x2  }
0x91: {  	s4 =	simm.s32 $0xA;
	s5 =	simm.s32 $0x10;
	s15 =	sld [smem:$0x3FC8]  }
0x92: {  	[smem:s5], [sflag:s4] =	dma.local [hbm:s2], $0x1  }
0x93: {  	_ =	swait.eq [sflag:s4], $0x1  }
0x94: {  	[sflag:s4] =	ssyncset.done $0x0  }
0x95: {  	s16 =	sld [smem:$0x10];
	[sflag:s4] =	ssyncadd.s32 $0xFFFFFFFF  }
0x96: {  	s17 =	sld [smem:$0x11];
	(tm) =	ssettm $0x1  }
0x97: {  	s18 =	sld [smem:$0x3FFB];
	_ =	sdelay $0x3  }
0x98: {  	_ =	strace s18  }
0x99: {  	s5 =	sld [smem:$0x3FFC];
	_ =	sdelay $0x3  }
0x9a: {  	_ =	strace s5  }
0x9b: {  	s5 =	sld [smem:$0x3FFD];
	_ =	sdelay $0x3  }
0x9c: {  	_ =	strace s5  }
0x9d: {  	_ =	strace $0x8FFFFFFF  }
0x9e: {  	s19 =	sld [smem:$0x3FDB];
	_ =	sdelay $0x1  }
0x9f: {  	s6 =	simm.s32 $_scs_section_size  }
0xa0: {  	s7 =	simm.s32 $_size__tile_overlayer_lowered;
	s8 =	simm.s32 $_tile_overlayer_lowered  }
0xa1: {  	s22 =	simm.s32 $0x1BFF;
	s21 =	sshll.u32 s8, $0x1;
	s5 =	sadd.s32 s6, s19  }
0xa2: {  	s9 =	simm.s32 $0x0;
	s20 =	sshll.u32 s7, $0x1;
	s7 =	sadd.s32 s21, s5  }
0xa3: {  	[timem:s9], [sflag:s22] =	dma.local [hbm:s7], s20  }
0xa4: {  	_ =	swait.ge [sflag:s22], s20  }
0xa5: {  	s6 =	ssub.s32 $0x0, s20;
	[sflag:s22] =	ssyncset.done $0x0  }
0xa6: {  	[sflag:s22] =	ssyncadd.s32 s6;
	_ =	sdelay $0x1  }
0xa7: {  	s23 =	simm.s32 $0x1B8B  }
0xa8: {  	_ =	swait.ge [sflag:s23], $0x1  }
0xa9: {  	[sflag:s23] =	ssyncset.done $0x0  }
0xaa: {  	s25 =	simm.s32 $0x1B8E;
	s24 =	sld [smem:$0x3FFE];
	[sflag:s23] =	ssyncadd.s32 $0xFFFFFFFF  }
0xab: {  	s26 =	simm.s32 $execute0_lowered;
	[smem:$0x3FD2] =	sst s25  }
0xac: {  	s7 =	sshll.u32 s26, $0x1;
	_ =	strace $0x80000049;
	[dreg:$0x1] =	wrdreg $0xFFFFFFFF  }
0xad: {  	s28 =	simm.s32 $_size_execute0_lowered;
	s5 =	sadd.s32 s5, s7;
	[dreg:$0x0] =	wrdreg $0x0  }
0xae: {  	s7 =	sshll.u32 s28, $0x1;
	[dreg:$0x2] =	wrdreg s5  }
0xaf: {  	[dreg:$0x3] =	wrdreg s7  }
0xb0: {  	[dreg:$0x4] =	wrdreg $0xC0  }
0xb1: {  	_ =	task [dreg:s9], $0x5FFFF  }
0xb2: {  	[dreg:$0x1] =	wrdreg $0xFFFFFFFF  }
0xb3: {  	[dreg:$0x0] =	wrdreg $0x60  }
0xb4: {  	[dreg:$0x2] =	wrdreg s24  }
0xb5: {  	[dreg:$0x3] =	wrdreg s15  }
0xb6: {  	[dreg:$0x4] =	wrdreg s17  }
0xb7: {  	[dreg:$0x5] =	wrdreg s16  }
0xb8: {  	[dreg:$0x6] =	wrdreg $0x9  }
0xb9: {  	_ =	task.clear_ibuf [dreg:s9], $0x7FFFF;
	_ =	strace $0x90000049  }
0xba: {  	s29 =	simm.s32 $0x9;
	_ =	strace $0x8000004B  }
0xbb: {  	_ =	swait.ge [sflag:s29], $0x1  }
0xbc: {  	[sflag:s29] =	ssyncadd.s32 $0xFFFFFFFF  }
0xbd: {  	_ =	strace $0x9000004B  }
0xbe: {  	_ =	sfence  }
0xbf: {  	s30 =	sld [smem:$0x0];
	_ =	sdelay $0x2  }
0xc0: {  	s31 =	sshll.u32 s1, $0xD;
	s1 =	sshrl.u32 s1, $0x2  }
0xc1: {  	s3 =	sand.u32 $0x4000, s31;
	s1 =	sadd.s32 s1, s30  }
0xc2: {  	s0 =	sor.u32 s3, s0;
	s1 =	sshll.u32 s1, $0x11  }
0xc3: {  	s0 =	sor.u32 s1, s0  }
0xc4: {  	s0 =	sadd.s32 $0x8F2B, s0  }
0xc5: {  	[sflag:s0] =	ssyncadd.remote.s32 $0x1  }
0xc6: {  	_ =	sfence.sel $0xFFFF  }
0xc7: {  	[dreg:$0x0] =	wrdreg $0xFFFFFFFF;
	(pc) =	sbr.abs _section_cstart, $3  }
0xc8: {  	[dreg:$0x1] =	wrdreg $0xFFFFFFFF  }
0xc9: {  	_ =	task.clear_ibuf [dreg:s9], $0x2FFFF;
	_ =	strace $0x9FFFFFFF  }
0xca: {  	(tm) =	ssettm $0x7FFFFFFF  }
0xcb: {  	_ =	shalt  }
tec
execute0_lowered:
.L_overlay_start_1:
0x0: {  	(tag) =	ssettag $0x1  }
0x1: {  	s0 =	rddreg [dreg:$0x0]  }
0x2: {  	s1 =	rddreg [dreg:$0x1];
	s4 =	simm.s32 $0x0;
	s2 =	srdreg.scid  }
0x3: {  	s5 =	stileid.u32;
	s16 =	simm.s32 $0x10;
	s17 =	simm.s32 $0x200  }
0x4: {  	s19 =	simm.s32 $0xE000;
	s20 =	simm.s32 $0xD000;
	s21 =	simm.s32 $0xE100  }
0x5: {  	s22 =	simm.s32 $0x1;
	s23 =	simm.s32 $0x3;
	s24 =	simm.s32 $0x4000  }
0x6: {  	s28 =	simm.s32 $0x4;
	s30 =	simm.s32 $0x6;
	s18 =	simm.s32 $0x10140  }
0x7: {  	[smem:$0x7FF] =	sst s4;
	s6 =	sadd.s32 $0x1600, s0;
	s7 =	sadd.s32 $0x101600, s0  }
0x8: {  	s2 =	sand.u32 $0x1, s2;
	s8 =	sadd.s32 $0x101E00, s0;
	s9 =	sadd.s32 $0x111800, s0  }
0x9: {  	s10 =	sadd.s32 $0x121200, s0;
	s31 =	sadd.s32 $0x20, s1;
	s3 =	sshll.u32 s2, $0x4  }
0xa: {  	_ =	strace $0x8000004A;
	s2 =	ssub.s32 $0x2, s2;
	s3 =	sor.u32 s5, s3  }
0xb: {  	[dreg:$0x7] =	wrdreg s31;
	s25 =	sshrl.u32 s2, $0x1;
	s11 =	sshll.u32 s3, $0x1  }
0xc: {  	s26 =	ssub.s32 s2, s25;
	s12 =	sshll.u32 s3, $0x4;
	s29 =	sadd.s32 s6, s11  }
0xd: {  	p0 =	sne.s32 s3, $0x0;
	s0 =	smax.u32 s26, $0x1;
	[dreg:$0x5] =	wrdreg s29  }
0xe: {  	v0 =	vimm.f32 $0.0e+00;
	v1 =	vimm.s32 $0x0;
	vm0 =	vcmask $0x300;
	s25 =	simm.s32 $0x8000;
	s2 =	sadd.s32 $0x4000, s29;
	[dreg:$0x8] =	wrdreg s0  }
0xf: {  	v2 =	vlaneseq.u32;
	v3 =	vimm.f32 $1.000000000e+00;
	v1 =	vsel vm0, $0x3, v1;
	s26 =	simm.s32 $0x2;
	[dreg:$0x6] =	wrdreg s2;
	s2 =	simm.s32 $0x0  }
.LBB2_1:
0x10: {  	s0 =	rddreg [dreg:$0x5];
	s15 =	simm.s32 $0xC000  }
0x11: {  	[tilespmem:s15], [sflag:$0x1] =	stream.strided.gather [hbm4b:s0+s16], $0x1000, s17, s16, $0x38;
	[tilespmem:$0x110E0] =	vst v63  }
0x12: {  	[dreg:$0x9] =	wrdreg s2  }
0x13: {  	[tilespmem:s19], [sflag:$0x3] =	stream.linear.gather [hbm4b:s1+s4], $0x100, $0x38;
	[tilespmem:$0x110E0] =	vst v63  }
0x14: {  	s29 =	rddreg [dreg:$0x6]  }
0x15: {  	[tilespmem:s20], [sflag:$0x2] =	stream.strided.gather [hbm4b:s29+s16], $0x1000, s17, s16, $0x38;
	[tilespmem:$0x110E0] =	vst v63  }
0x16: {  	s31 =	rddreg [dreg:$0x7];
	s0 =	simm.s32 $0x40  }
0x17: {  	[tilespmem:s21], [sflag:$0x4] =	stream.linear.gather [hbm4b:s31+s4], $0x100, $0x38;
	[tilespmem:$0x110E0] =	vst v63  }
0x18: {  	[tilespmem:s0+$0xFFFFFFD0] =	vst v0  }
0x19: {  	[tilespmem:s0+$0x0] =	vst v0  }
0x1a: {  	[tilespmem:s0+$0xFFFFFFC0] =	vst v0  }
0x1b: {  	[tilespmem:s0+$0x30] =	vst v0  }
0x1c: {  	[tilespmem:s0+$0xFFFFFFF0] =	vst v0  }
0x1d: {  	[tilespmem:s0+$0xFFFFFFE0] =	vst v0  }
0x1e: {  	[tilespmem:s0+$0x10] =	vst v0  }
0x1f: {  	s3 =	simm.s32 $0x4040;
	[tilespmem:s0+$0x20] =	vst v0  }
0x20: {  	[tilespmem:s3+$0xFFFFFFC0] =	vst v0  }
0x21: {  	[tilespmem:s3+$0x30] =	vst v0  }
0x22: {  	[tilespmem:s3+$0x0] =	vst v0  }
0x23: {  	[tilespmem:s3+$0x20] =	vst v0  }
0x24: {  	[tilespmem:s3+$0x10] =	vst v0  }
0x25: {  	[tilespmem:s3+$0xFFFFFFD0] =	vst v0  }
0x26: {  	[tilespmem:s3+$0xFFFFFFE0] =	vst v0  }
0x27: {  	s2 =	simm.s32 $0x8040;
	[tilespmem:s3+$0xFFFFFFF0] =	vst v0  }
0x28: {  	[tilespmem:s2+$0xFFFFFFC0] =	vst v0  }
0x29: {  	[tilespmem:s2+$0x30] =	vst v0  }
0x2a: {  	[tilespmem:s2+$0x20] =	vst v0  }
0x2b: {  	[tilespmem:s2+$0x10] =	vst v0  }
0x2c: {  	s5 =	simm.s32 $0x0;
	s11 =	simm.s32 $0x80C0;
	[tilespmem:s2+$0xFFFFFFD0] =	vst v0  }
.LBB2_2:
0x2d: {  	s5 =	sadd.s32 $0x8, s5;
	[tilespmem:s2+$0xFFFFFFE0] =	vst v0;
	s0 =	sadd.s32 $0x80, s0;
	s3 =	sadd.s32 $0x80, s3  }
0x2e: {  	p1 =	slt.u32 s5, $0x3F8;
	[tilespmem:s2+$0x0] =	vst v0  }
0x2f: {  	[tilespmem:s2+$0xFFFFFFF0] =	vst v0;
	s2 =	smov.u32 s11  }
0x30: {  	[tilespmem:s0+$0xFFFFFFD0] =	vst v0  }
0x31: {  	[tilespmem:s0+$0x0] =	vst v0  }
0x32: {  	[tilespmem:s0+$0xFFFFFFC0] =	vst v0  }
0x33: {  	[tilespmem:s3+$0xFFFFFFC0] =	vst v0  }
0x34: {  	[tilespmem:s11+$0xFFFFFFC0] =	vst v0  }
0x35: {  	[tilespmem:s0+$0x30] =	vst v0  }
0x36: {  	[tilespmem:s3+$0x30] =	vst v0  }
0x37: {  	[tilespmem:s11+$0x30] =	vst v0  }
0x38: {  	[tilespmem:s3+$0x0] =	vst v0  }
0x39: {  	[tilespmem:s0+$0xFFFFFFF0] =	vst v0  }
0x3a: {  	[tilespmem:s0+$0xFFFFFFE0] =	vst v0  }
0x3b: {  	[tilespmem:s0+$0x10] =	vst v0  }
0x3c: {  	[tilespmem:s0+$0x20] =	vst v0  }
0x3d: {  	[tilespmem:s3+$0x20] =	vst v0  }
0x3e: {  	[tilespmem:s11+$0x20] =	vst v0  }
0x3f: {  	[tilespmem:s3+$0x10] =	vst v0  }
.Ltmp0:
0x40: {  	[tilespmem:s11+$0x10] =	vst v0;
	(pc) =	sbr.rel @p1 .LBB2_2-.Ltmp0, $4  }
0x41: {  	[tilespmem:s3+$0xFFFFFFD0] =	vst v0  }
0x42: {  	[tilespmem:s3+$0xFFFFFFE0] =	vst v0  }
0x43: {  	[tilespmem:s11+$0xFFFFFFD0] =	vst v0  }
0x44: {  	s14 =	simm.s32 $0x0;
	s11 =	sadd.s32 $0x80, s11;
	[tilespmem:s3+$0xFFFFFFF0] =	vst v0  }
0x45: {  	[tilespmem:s2+$0xFFFFFFE0] =	vst v0  }
0x46: {  	[tilespmem:s2+$0x0] =	vst v0  }
0x47: {  	[tilespmem:s2+$0xFFFFFFF0] =	vst v0;
	s15 =	simm.s32 $0x0  }
.LBB2_4:
0x48: {  	s0 =	simm.s32 $0x1  }
0x49: {  	v4 =	vmov s14;
	s2 =	simm.s32 $0x2;
	s3 =	simm.s32 $0x8;
	s29 =	simm.s32 $0x3  }
0x4a: {  	s31 =	simm.s32 $0x4;
	s5 =	simm.s32 $0x5;
	_ =	swait.ge [sflag:s22], $0x1000;
	v4 =	vshrl.u32 v4, $0x3  }
0x4b: {  	s11 =	simm.s32 $0x6;
	s13 =	simm.s32 $0x7;
	v5 =	vmov s0;
	v6 =	vmov s2;
	v7 =	vmov s3;
	[sflag:s22] =	ssyncset.done $0x0  }
0x4c: {  	v8 =	vmov s29;
	v9 =	vmov s31;
	v10 =	vmov s5;
	s29 =	simm.s32 $0x9;
	s31 =	simm.s32 $0xA;
	[sflag:s22] =	ssyncadd.s32 $0xFFFFF000  }
0x4d: {  	v11 =	vmov s11;
	v12 =	vmov s13;
	s5 =	simm.s32 $0xB;
	s11 =	simm.s32 $0xC;
	v13 =	vmov s29;
	_ =	swait.ge [sflag:s23], $0x100  }
0x4e: {  	s13 =	simm.s32 $0xD;
	v14 =	vmov s31;
	v15 =	vmov s5;
	v16 =	vmov s11;
	[sflag:s23] =	ssyncset.done $0x0  }
0x4f: {  	v17 =	vmov s13;
	v4 =	vshll.u32 v4, v1;
	v5 =	vshrl.u32 v5, $0x3;
	s11 =	simm.s32 $0xC080;
	[sflag:s23] =	ssyncadd.s32 $0xFFFFFF00  }
0x50: {  	v7 =	vshrl.u32 v7, $0x3;
	v6 =	vshrl.u32 v6, $0x3;
	v8 =	vshrl.u32 v8, $0x3;
	v21 =	vld [tilespmem:s11+$0x70]  }
0x51: {  	v9 =	vshrl.u32 v9, $0x3;
	v10 =	vshrl.u32 v10, $0x3;
	v11 =	vshrl.u32 v11, $0x3;
	v22 =	vld [tilespmem:s11+$0xFFFFFF90]  }
0x52: {  	v12 =	vshrl.u32 v12, $0x3;
	v13 =	vshrl.u32 v13, $0x3;
	v14 =	vshrl.u32 v14, $0x3;
	v23 =	vld [tilespmem:s11+$0xFFFFFFA0]  }
0x53: {  	v15 =	vshrl.u32 v15, $0x3;
	v16 =	vshrl.u32 v16, $0x3;
	v17 =	vshrl.u32 v17, $0x3;
	v24 =	vld [tilespmem:s11+$0xFFFFFFB0]  }
0x54: {  	v5 =	vshll.u32 v5, v1;
	v7 =	vshll.u32 v7, v1;
	v4 =	vbroadcast v4, $0x0;
	v25 =	vld [tilespmem:s11+$0xFFFFFFC0]  }
0x55: {  	v6 =	vshll.u32 v6, v1;
	v8 =	vshll.u32 v8, v1;
	v9 =	vshll.u32 v9, v1;
	v48 =	vld [tilespmem:s11+$0xFFFFFFD0]  }
0x56: {  	v5 =	vadd.s32 $0x1, v5;
	v7 =	vbroadcast v7, $0x0;
	v14 =	vshll.u32 v14, v1;
	v49 =	vld [tilespmem:s11+$0xFFFFFFE0]  }
0x57: {  	v15 =	vshll.u32 v15, v1;
	v16 =	vshll.u32 v16, v1;
	v17 =	vshll.u32 v17, v1;
	v27 =	vld [tilespmem:s11+$0xFFFFFFF0]  }
0x58: {  	v19 =	vbroadcast v5, $0x0;
	v5 =	vadd.s32 $0x2, v6;
	v6 =	vshll.u32 v10, v1;
	v28 =	vld [tilespmem:s11+$0x10]  }
0x59: {  	v14 =	vadd.s32 $0x2, v14;
	v15 =	vadd.s32 $0x3, v15;
	v16 =	vadd.s32 $0x4, v16;
	v29 =	vld [tilespmem:s11+$0x20]  }
0x5a: {  	v17 =	vadd.s32 $0x5, v17;
	v10 =	vbroadcast v5, $0x0;
	v5 =	vadd.s32 $0x3, v8;
	v30 =	vld [tilespmem:s11+$0x30]  }
0x5b: {  	v8 =	vshll.u32 v11, v1;
	v14 =	vbroadcast v14, $0x0;
	v15 =	vbroadcast v15, $0x0;
	v31 =	vld [tilespmem:s11+$0x40]  }
0x5c: {  	v16 =	vbroadcast v16, $0x0;
	v32 =	vld [tilespmem:s11+$0x50];
	v11 =	vbroadcast v5, $0x0;
	v5 =	vadd.s32 $0x4, v9  }
0x5d: {  	v34 =	vld [tilespmem:s11+$0x60];
	v9 =	vshll.u32 v12, v1;
	v12 =	vbroadcast v5, $0x0;
	v5 =	vadd.s32 $0x5, v6  }
0x5e: {  	s31 =	simm.s32 $0xF;
	v6 =	vshll.u32 v13, v1;
	v4 =	vld.idx.msk [tilespmem:v4+s19+$0x0], $0xffff;
	v13 =	vbroadcast v5, $0x0;
	v5 =	vadd.s32 $0x6, v8  }
0x5f: {  	v17 =	vbroadcast v17, $0x0;
	v8 =	vmov s31;
	v20 =	vbroadcast v5, $0x0;
	v5 =	vld.idx.msk [tilespmem:v7+s19+$0x0], $0xffff  }
0x60: {  	v6 =	vadd.s32 $0x1, v6;
	v7 =	vshrl.u32 v8, $0x3;
	v8 =	vld.idx.msk [tilespmem:v19+s19+$0x0], $0xffff  }
0x61: {  	v6 =	vbroadcast v6, $0x0;
	v10 =	vld.idx.msk [tilespmem:v10+s19+$0x0], $0xffff  }
0x62: {  	s29 =	simm.s32 $0xE;
	v14 =	vld.idx.msk [tilespmem:v14+s19+$0x0], $0xffff  }
0x63: {  	v18 =	vmov s29;
	v15 =	vld.idx.msk [tilespmem:v15+s19+$0x0], $0xffff  }
0x64: {  	v18 =	vshrl.u32 v18, $0x3;
	v9 =	vadd.s32 $0x7, v9;
	v7 =	vshll.u32 v7, v1;
	v16 =	vld.idx.msk [tilespmem:v16+s19+$0x0], $0xffff  }
0x65: {  	v18 =	vshll.u32 v18, v1;
	v9 =	vbroadcast v9, $0x0;
	v7 =	vadd.s32 $0x7, v7;
	v17 =	vld.idx.msk [tilespmem:v17+s19+$0x0], $0xffff  }
0x66: {  	v18 =	vadd.s32 $0x6, v18;
	v7 =	vbroadcast v7, $0x0;
	v19 =	vld.idx.msk [tilespmem:v20+s19+$0x0], $0xffff  }
0x67: {  	v20 =	vld.idx.msk [tilespmem:v6+s19+$0x0], $0xffff;
	v6 =	vbroadcast v18, $0x0  }
0x68: {  	v11 =	vld.idx.msk [tilespmem:v11+s19+$0x0], $0xffff  }
0x69: {  	v12 =	vld.idx.msk [tilespmem:v12+s19+$0x0], $0xffff;
	v8 =	vshll.u32 v8, $0x4  }
0x6a: {  	v13 =	vld.idx.msk [tilespmem:v13+s19+$0x0], $0xffff;
	v8 =	vor.u32 v2, v8  }
0x6b: {  	v9 =	vld.idx.msk [tilespmem:v9+s19+$0x0], $0xffff;
	v10 =	vshll.u32 v10, $0x4  }
0x6c: {  	v10 =	vor.u32 v2, v10;
	v7 =	vld.idx.msk [tilespmem:v7+s19+$0x0], $0xffff  }
0x6d: {  	v18 =	vld.idx.msk [tilespmem:v6+s19+$0x0], $0xffff  }
0x6e: {  	v33 =	vmul.f32 v22, v22;
	v11 =	vshll.u32 v11, $0x4;
	v6 =	vld [tilespmem:s11+$0xFFFFFF80]  }
0x6f: {  	v11 =	vor.u32 v2, v11;
	[tilespmem:v8+s4+$0x0] =	vst.idx.add.f32.msk $0xffff, v22  }
0x70: {  	[tilespmem:v8+s24+$0x0] =	vst.idx.add.f32.msk $0xffff, v33  }
0x71: {  	v50 =	vmul.f32 v23, v23;
	[tilespmem:v10+s4+$0x0] =	vst.idx.add.f32.msk $0xffff, v23  }
0x72: {  	v4 =	vshll.u32 v4, $0x4;
	[tilespmem:v8+s25+$0x0] =	vst.idx.add.f32.msk $0xffff, v3  }
0x73: {  	v4 =	vor.u32 v2, v4;
	[tilespmem:v10+s24+$0x0] =	vst.idx.add.f32.msk $0xffff, v50  }
0x74: {  	v7 =	vshll.u32 v7, $0x4;
	v8 =	vshll.u32 v12, $0x4;
	v12 =	vmul.f32 v24, v24;
	[tilespmem:v11+s4+$0x0] =	vst.idx.add.f32.msk $0xffff, v24  }
0x75: {  	v7 =	vor.u32 v2, v7;
	[tilespmem:v10+s25+$0x0] =	vst.idx.add.f32.msk $0xffff, v3  }
0x76: {  	v8 =	vor.u32 v2, v8;
	[tilespmem:v11+s24+$0x0] =	vst.idx.add.f32.msk $0xffff, v12  }
0x77: {  	[tilespmem:v11+s25+$0x0] =	vst.idx.add.f32.msk $0xffff, v3;
	v11 =	vshll.u32 v19, $0x4;
	v19 =	vmul.f32 v6, v6  }
0x78: {  	[tilespmem:v4+s4+$0x0] =	vst.idx.add.f32.msk $0xffff, v6  }
0x79: {  	v10 =	vshll.u32 v13, $0x4;
	[tilespmem:v4+s24+$0x0] =	vst.idx.add.f32.msk $0xffff, v19  }
0x7a: {  	v10 =	vor.u32 v2, v10;
	[tilespmem:v7+s4+$0x0] =	vst.idx.add.f32.msk $0xffff, v21  }
0x7b: {  	v26 =	vmul.f32 v21, v21;
	[tilespmem:v8+s4+$0x0] =	vst.idx.add.f32.msk $0xffff, v25  }
0x7c: {  	v12 =	vmul.f32 v25, v25;
	[tilespmem:v4+s25+$0x0] =	vst.idx.add.f32.msk $0xffff, v3  }
0x7d: {  	[tilespmem:v7+s24+$0x0] =	vst.idx.add.f32.msk $0xffff, v26  }
0x7e: {  	[tilespmem:v8+s24+$0x0] =	vst.idx.add.f32.msk $0xffff, v12  }
0x7f: {  	v18 =	vshll.u32 v18, $0x4;
	v11 =	vor.u32 v2, v11;
	[tilespmem:v10+s4+$0x0] =	vst.idx.add.f32.msk $0xffff, v48  }
0x80: {  	v18 =	vor.u32 v2, v18;
	[tilespmem:v7+s25+$0x0] =	vst.idx.add.f32.msk $0xffff, v3  }
0x81: {  	v12 =	vmul.f32 v48, v48;
	v7 =	vld [tilespmem:s11+$0x0]  }
0x82: {  	[tilespmem:v8+s25+$0x0] =	vst.idx.add.f32.msk $0xffff, v3  }
0x83: {  	[tilespmem:v10+s24+$0x0] =	vst.idx.add.f32.msk $0xffff, v12  }
0x84: {  	[tilespmem:v11+s4+$0x0] =	vst.idx.add.f32.msk $0xffff, v49  }
0x85: {  	v5 =	vshll.u32 v5, $0x4;
	v8 =	vshll.u32 v9, $0x4;
	v9 =	vmul.f32 v49, v49;
	[tilespmem:v18+s4+$0x0] =	vst.idx.add.f32.msk $0xffff, v34  }
0x86: {  	v5 =	vor.u32 v2, v5;
	[tilespmem:v10+s25+$0x0] =	vst.idx.add.f32.msk $0xffff, v3  }
0x87: {  	v8 =	vor.u32 v2, v8;
	v10 =	vshll.u32 v20, $0x4;
	[tilespmem:v11+s24+$0x0] =	vst.idx.add.f32.msk $0xffff, v9;
	v20 =	vmul.f32 v34, v34  }
0x88: {  	s5 =	simm.s32 $0x12;
	[tilespmem:v11+s25+$0x0] =	vst.idx.add.f32.msk $0xffff, v3  }
0x89: {  	s13 =	simm.s32 $0x18;
	v51 =	vmov s5;
	s5 =	simm.s32 $0x16;
	[tilespmem:v18+s24+$0x0] =	vst.idx.add.f32.msk $0xffff, v20  }
0x8a: {  	v52 =	vmov s13;
	v55 =	vmov s5;
	s5 =	simm.s32 $0x1C;
	s31 =	simm.s32 $0x14;
	v9 =	vor.u32 v2, v10;
	[tilespmem:v18+s25+$0x0] =	vst.idx.add.f32.msk $0xffff, v3  }
0x8b: {  	v58 =	vmov s5;
	v53 =	vmov s31;
	s31 =	simm.s32 $0x1A;
	v10 =	vmul.f32 v27, v27;
	[tilespmem:v5+s4+$0x0] =	vst.idx.add.f32.msk $0xffff, v7  }
0x8c: {  	v57 =	vmov s31;
	v16 =	vshll.u32 v16, $0x4;
	v11 =	vshll.u32 v14, $0x4;
	[tilespmem:v8+s4+$0x0] =	vst.idx.add.f32.msk $0xffff, v27  }
0x8d: {  	v17 =	vshll.u32 v17, $0x4;
	v22 =	vshrl.u32 v52, $0x3;
	[tilespmem:v8+s24+$0x0] =	vst.idx.add.f32.msk $0xffff, v10;
	v10 =	vor.u32 v2, v11  }
0x8e: {  	s2 =	simm.s32 $0x10;
	s31 =	simm.s32 $0x1F;
	v23 =	vshrl.u32 v53, $0x3;
	v13 =	vmul.f32 v29, v29;
	v11 =	vmul.f32 v28, v28;
	[tilespmem:v8+s25+$0x0] =	vst.idx.add.f32.msk $0xffff, v3  }
0x8f: {  	v19 =	vmov s31;
	v12 =	vshll.u32 v15, $0x4;
	v15 =	vmov s2;
	[tilespmem:v9+s4+$0x0] =	vst.idx.add.f32.msk $0xffff, v28  }
0x90: {  	v25 =	vshrl.u32 v55, $0x3;
	v15 =	vshrl.u32 v15, $0x3;
	[tilespmem:v9+s24+$0x0] =	vst.idx.add.f32.msk $0xffff, v11;
	v11 =	vor.u32 v2, v12  }
0x91: {  	v21 =	vshrl.u32 v51, $0x3;
	v62 =	vshll.u32 v25, v1;
	v15 =	vshll.u32 v15, v1;
	[tilespmem:v9+s25+$0x0] =	vst.idx.add.f32.msk $0xffff, v3  }
0x92: {  	v14 =	vmul.f32 v31, v31;
	v20 =	vshll.u32 v22, v1;
	v15 =	vbroadcast v15, $0x0;
	[tilespmem:v10+s4+$0x0] =	vst.idx.add.f32.msk $0xffff, v29  }
0x93: {  	v18 =	vshll.u32 v21, v1;
	v20 =	vbroadcast v20, $0x0;
	v8 =	vmul.f32 v7, v7;
	[tilespmem:v10+s24+$0x0] =	vst.idx.add.f32.msk $0xffff, v13  }
0x94: {  	s3 =	simm.s32 $0x11;
	s29 =	simm.s32 $0x13;
	v19 =	vshrl.u32 v19, $0x3;
	v12 =	vmul.f32 v30, v30;
	v9 =	vmul.f32 v32, v32;
	[tilespmem:v10+s25+$0x0] =	vst.idx.add.f32.msk $0xffff, v3  }
0x95: {  	v13 =	vor.u32 v2, v16;
	v16 =	vmov s3;
	s3 =	simm.s32 $0x15;
	v10 =	vmov s29;
	[tilespmem:v11+s4+$0x0] =	vst.idx.add.f32.msk $0xffff, v30  }
0x96: {  	s13 =	simm.s32 $0x17;
	v54 =	vmov s3;
	s29 =	simm.s32 $0x19;
	v16 =	vshrl.u32 v16, $0x3;
	[tilespmem:v11+s24+$0x0] =	vst.idx.add.f32.msk $0xffff, v12;
	v12 =	vor.u32 v2, v17  }
0x97: {  	[tilespmem:v5+s24+$0x0] =	vst.idx.add.f32.msk $0xffff, v8;
	s3 =	simm.s32 $0x1B;
	v17 =	vmov s13;
	v56 =	vmov s29;
	v10 =	vshrl.u32 v10, $0x3  }
0x98: {  	s13 =	simm.s32 $0x1D;
	s29 =	simm.s32 $0x1E;
	v24 =	vshrl.u32 v54, $0x3;
	v16 =	vshll.u32 v16, v1;
	[tilespmem:v11+s25+$0x0] =	vst.idx.add.f32.msk $0xffff, v3;
	v11 =	vmov s3  }
0x99: {  	v4 =	vld.idx.msk [tilespmem:v15+s19+$0x0], $0xffff;
	v59 =	vmov s13;
	v60 =	vmov s29;
	v17 =	vshrl.u32 v17, $0x3  }
0x9a: {  	[tilespmem:v5+s25+$0x0] =	vst.idx.add.f32.msk $0xffff, v3;
	v26 =	vshrl.u32 v56, $0x3;
	v61 =	vshll.u32 v10, v1;
	v7 =	vadd.s32 $0x1, v16  }
0x9b: {  	v16 =	vshll.u32 v23, v1;
	v8 =	vbroadcast v7, $0x0;
	v7 =	vadd.s32 $0x2, v18;
	[tilespmem:v13+s4+$0x0] =	vst.idx.add.f32.msk $0xffff, v31  }
0x9c: {  	v18 =	vshll.u32 v24, v1;
	v5 =	vadd.s32 $0x3, v61;
	v63 =	vshll.u32 v17, v1;
	[tilespmem:v13+s24+$0x0] =	vst.idx.add.f32.msk $0xffff, v14  }
0x9d: {  	v10 =	vbroadcast v7, $0x0;
	v6 =	vbroadcast v5, $0x0;
	v5 =	vadd.s32 $0x4, v16;
	[tilespmem:v13+s25+$0x0] =	vst.idx.add.f32.msk $0xffff, v3  }
0x9e: {  	v17 =	vshll.u32 v26, v1;
	v7 =	vbroadcast v5, $0x0;
	v5 =	vadd.s32 $0x5, v18;
	[tilespmem:v12+s4+$0x0] =	vst.idx.add.f32.msk $0xffff, v32  }
0x9f: {  	v14 =	vshrl.u32 v57, $0x3;
	v16 =	vbroadcast v5, $0x0;
	v5 =	vadd.s32 $0x6, v62;
	[tilespmem:v12+s24+$0x0] =	vst.idx.add.f32.msk $0xffff, v9  }
0xa0: {  	v18 =	vadd.s32 $0x7, v63;
	v13 =	vshrl.u32 v11, $0x3;
	v15 =	vbroadcast v5, $0x0;
	v5 =	vld.idx.msk [tilespmem:v20+s19+$0x0], $0xffff  }
0xa1: {  	s2 =	simm.s32 $0x20;
	v11 =	vshrl.u32 v60, $0x3;
	v9 =	vshrl.u32 v59, $0x3;
	[tilespmem:v12+s25+$0x0] =	vst.idx.add.f32.msk $0xffff, v3;
	v12 =	vshrl.u32 v58, $0x3  }
.LBB2_5:
0xa2: {  	p1 =	slt.u32 s2, $0xF0;
	v20 =	vld.idx.msk [tilespmem:v8+s19+$0x0], $0xffff;
	v8 =	vbroadcast v18, $0x0;
	v17 =	vadd.s32 $0x1, v17;
	v18 =	vshll.u32 v19, v1  }
0xa3: {  	v14 =	vshll.u32 v14, v1;
	v10 =	vld.idx.msk [tilespmem:v10+s19+$0x0], $0xffff;
	v17 =	vbroadcast v17, $0x0;
	v18 =	vadd.s32 $0x7, v18  }
0xa4: {  	v13 =	vshll.u32 v13, v1;
	v19 =	vld.idx.msk [tilespmem:v6+s19+$0x0], $0xffff;
	v6 =	vadd.s32 $0x2, v14;
	v14 =	vbroadcast v18, $0x0  }
0xa5: {  	v12 =	vshll.u32 v12, v1;
	v18 =	vld.idx.msk [tilespmem:v7+s19+$0x0], $0xffff;
	v6 =	vbroadcast v6, $0x0;
	v7 =	vadd.s32 $0x3, v13  }
0xa6: {  	v9 =	vshll.u32 v9, v1;
	v12 =	vadd.s32 $0x4, v12;
	v16 =	vld.idx.msk [tilespmem:v16+s19+$0x0], $0xffff;
	v7 =	vbroadcast v7, $0x0  }
0xa7: {  	v11 =	vshll.u32 v11, v1;
	v9 =	vadd.s32 $0x5, v9;
	v12 =	vbroadcast v12, $0x0;
	v21 =	vld.idx.msk [tilespmem:v15+s19+$0x0], $0xffff  }
0xa8: {  	v22 =	vld.idx.msk [tilespmem:v8+s19+$0x0], $0xffff;
	v8 =	vbroadcast v9, $0x0;
	v9 =	vadd.s32 $0x6, v11  }
0xa9: {  	v17 =	vld.idx.msk [tilespmem:v17+s19+$0x0], $0xffff;
	v9 =	vbroadcast v9, $0x0  }
0xaa: {  	v13 =	vld.idx.msk [tilespmem:v14+s19+$0x0], $0xffff  }
0xab: {  	v23 =	vld.idx.msk [tilespmem:v6+s19+$0x0], $0xffff  }
0xac: {  	v24 =	vld.idx.msk [tilespmem:v7+s19+$0x0], $0xffff  }
0xad: {  	v14 =	vld.idx.msk [tilespmem:v12+s19+$0x0], $0xffff  }
0xae: {  	v11 =	vld.idx.msk [tilespmem:v8+s19+$0x0], $0xffff  }
0xaf: {  	s11 =	sadd.s32 $0x100, s11;
	v9 =	vld.idx.msk [tilespmem:v9+s19+$0x0], $0xffff  }
0xb0: {  	v7 =	vshll.u32 v13, $0x4;
	v8 =	vld [tilespmem:s11+$0x70]  }
0xb1: {  	v12 =	vor.u32 v2, v7;
	v6 =	vld [tilespmem:s11+$0xFFFFFF80]  }
0xb2: {  	v15 =	vld [tilespmem:s11+$0xFFFFFF90]  }
0xb3: {  	v25 =	vld [tilespmem:s11+$0xFFFFFFA0]  }
0xb4: {  	v26 =	vld [tilespmem:s11+$0xFFFFFFB0]  }
0xb5: {  	v27 =	vld [tilespmem:s11+$0xFFFFFFC0];
	v13 =	vmul.f32 v8, v8  }
0xb6: {  	v7 =	vmul.f32 v6, v6;
	[tilespmem:v12+s4+$0x0] =	vst.idx.add.f32.msk $0xffff, v8  }
0xb7: {  	v28 =	vmul.f32 v15, v15;
	[tilespmem:v12+s24+$0x0] =	vst.idx.add.f32.msk $0xffff, v13  }
0xb8: {  	v29 =	vmul.f32 v25, v25;
	[tilespmem:v12+s25+$0x0] =	vst.idx.add.f32.msk $0xffff, v3  }
0xb9: {  	v30 =	vmul.f32 v26, v26;
	v31 =	vld [tilespmem:s11+$0xFFFFFFD0]  }
0xba: {  	v32 =	vmul.f32 v27, v27;
	v33 =	vld [tilespmem:s11+$0xFFFFFFE0]  }
0xbb: {  	v34 =	vld [tilespmem:s11+$0xFFFFFFF0]  }
0xbc: {  	v8 =	vld [tilespmem:s11+$0x0]  }
0xbd: {  	v12 =	vshll.u32 v20, $0x4;
	v20 =	vld [tilespmem:s11+$0x10]  }
0xbe: {  	v35 =	vor.u32 v2, v12;
	v36 =	vmul.f32 v31, v31;
	v37 =	vld [tilespmem:s11+$0x20]  }
0xbf: {  	v38 =	vmul.f32 v33, v33;
	v39 =	vld [tilespmem:s11+$0x30]  }
0xc0: {  	v10 =	vshll.u32 v10, $0x4;
	v40 =	vmul.f32 v34, v34;
	v41 =	vld [tilespmem:s11+$0x40]  }
0xc1: {  	v42 =	vor.u32 v2, v10;
	v10 =	vmul.f32 v8, v8;
	v13 =	vld [tilespmem:s11+$0x50]  }
0xc2: {  	v43 =	vmul.f32 v20, v20;
	v12 =	vld [tilespmem:s11+$0x60]  }
0xc3: {  	[tilespmem:v35+s4+$0x0] =	vst.idx.add.f32.msk $0xffff, v15;
	v15 =	vshll.u32 v19, $0x4;
	v19 =	vmul.f32 v37, v37  }
0xc4: {  	[tilespmem:v35+s24+$0x0] =	vst.idx.add.f32.msk $0xffff, v28;
	v28 =	vor.u32 v2, v15;
	v44 =	vmul.f32 v39, v39  }
0xc5: {  	[tilespmem:v35+s25+$0x0] =	vst.idx.add.f32.msk $0xffff, v3;
	v35 =	vmul.f32 v41, v41  }
0xc6: {  	v15 =	vshll.u32 v18, $0x4;
	[tilespmem:v42+s4+$0x0] =	vst.idx.add.f32.msk $0xffff, v25;
	v18 =	vmul.f32 v13, v13  }
0xc7: {  	v25 =	vor.u32 v2, v15;
	[tilespmem:v42+s24+$0x0] =	vst.idx.add.f32.msk $0xffff, v29;
	v15 =	vmul.f32 v12, v12  }
0xc8: {  	[tilespmem:v42+s25+$0x0] =	vst.idx.add.f32.msk $0xffff, v3  }
0xc9: {  	v16 =	vshll.u32 v16, $0x4;
	[tilespmem:v28+s4+$0x0] =	vst.idx.add.f32.msk $0xffff, v26  }
0xca: {  	v16 =	vor.u32 v2, v16;
	[tilespmem:v28+s24+$0x0] =	vst.idx.add.f32.msk $0xffff, v30  }
0xcb: {  	[tilespmem:v28+s25+$0x0] =	vst.idx.add.f32.msk $0xffff, v3  }
0xcc: {  	v21 =	vshll.u32 v21, $0x4;
	[tilespmem:v25+s4+$0x0] =	vst.idx.add.f32.msk $0xffff, v27  }
0xcd: {  	v21 =	vor.u32 v2, v21;
	[tilespmem:v25+s24+$0x0] =	vst.idx.add.f32.msk $0xffff, v32  }
0xce: {  	[tilespmem:v25+s25+$0x0] =	vst.idx.add.f32.msk $0xffff, v3  }
0xcf: {  	v22 =	vshll.u32 v22, $0x4;
	[tilespmem:v16+s4+$0x0] =	vst.idx.add.f32.msk $0xffff, v31  }
0xd0: {  	v22 =	vor.u32 v2, v22;
	[tilespmem:v16+s24+$0x0] =	vst.idx.add.f32.msk $0xffff, v36  }
0xd1: {  	[tilespmem:v16+s25+$0x0] =	vst.idx.add.f32.msk $0xffff, v3  }
0xd2: {  	v16 =	vshll.u32 v17, $0x4;
	[tilespmem:v21+s4+$0x0] =	vst.idx.add.f32.msk $0xffff, v33  }
0xd3: {  	v16 =	vor.u32 v2, v16;
	[tilespmem:v21+s24+$0x0] =	vst.idx.add.f32.msk $0xffff, v38  }
0xd4: {  	[tilespmem:v21+s25+$0x0] =	vst.idx.add.f32.msk $0xffff, v3  }
0xd5: {  	v17 =	vshll.u32 v23, $0x4;
	[tilespmem:v22+s4+$0x0] =	vst.idx.add.f32.msk $0xffff, v34  }
0xd6: {  	v17 =	vor.u32 v2, v17;
	[tilespmem:v22+s24+$0x0] =	vst.idx.add.f32.msk $0xffff, v40  }
0xd7: {  	[tilespmem:v22+s25+$0x0] =	vst.idx.add.f32.msk $0xffff, v3  }
0xd8: {  	[tilespmem:v16+s4+$0x0] =	vst.idx.add.f32.msk $0xffff, v20;
	v20 =	vshll.u32 v24, $0x4  }
0xd9: {  	[tilespmem:v16+s24+$0x0] =	vst.idx.add.f32.msk $0xffff, v43;
	v20 =	vor.u32 v2, v20  }
0xda: {  	[tilespmem:v16+s25+$0x0] =	vst.idx.add.f32.msk $0xffff, v3  }
0xdb: {  	v14 =	vshll.u32 v14, $0x4;
	v16 =	vmov s2;
	[tilespmem:v17+s4+$0x0] =	vst.idx.add.f32.msk $0xffff, v37  }
0xdc: {  	s0 =	sadd.s32 $0x1, s2;
	s3 =	sadd.s32 $0x2, s2;
	s5 =	sadd.s32 $0x8, s2;
	v14 =	vor.u32 v2, v14;
	v16 =	vshrl.u32 v16, $0x3;
	[tilespmem:v17+s24+$0x0] =	vst.idx.add.f32.msk $0xffff, v19  }
0xdd: {  	v21 =	vmov s3;
	s3 =	sadd.s32 $0x4, s2;
	v22 =	vmov s5;
	v19 =	vmov s0;
	s0 =	sadd.s32 $0x3, s2;
	[tilespmem:v17+s25+$0x0] =	vst.idx.add.f32.msk $0xffff, v3  }
0xde: {  	v11 =	vshll.u32 v11, $0x4;
	v23 =	vmov s3;
	s3 =	sadd.s32 $0x6, s2;
	v17 =	vmov s0;
	s0 =	sadd.s32 $0x5, s2;
	[tilespmem:v20+s4+$0x0] =	vst.idx.add.f32.msk $0xffff, v39  }
0xdf: {  	v11 =	vor.u32 v2, v11;
	v25 =	vmov s3;
	s3 =	sadd.s32 $0x9, s2;
	s5 =	sadd.s32 $0xA, s2;
	v24 =	vmov s0;
	s0 =	sadd.s32 $0x7, s2;
	[tilespmem:v20+s24+$0x0] =	vst.idx.add.f32.msk $0xffff, v44  }
0xe0: {  	v27 =	vmov s3;
	s3 =	sadd.s32 $0xC, s2;
	v28 =	vmov s5;
	v26 =	vmov s0;
	s0 =	sadd.s32 $0xB, s2;
	[tilespmem:v20+s25+$0x0] =	vst.idx.add.f32.msk $0xffff, v3  }
0xe1: {  	v9 =	vshll.u32 v9, $0x4;
	v29 =	vmov s3;
	s3 =	sadd.s32 $0xE, s2;
	v20 =	vmov s0;
	s0 =	sadd.s32 $0xD, s2;
	[tilespmem:v14+s4+$0x0] =	vst.idx.add.f32.msk $0xffff, v41  }
0xe2: {  	v32 =	vor.u32 v2, v9;
	v31 =	vmov s3;
	v30 =	vmov s0;
	[tilespmem:v14+s24+$0x0] =	vst.idx.add.f32.msk $0xffff, v35  }
0xe3: {  	v22 =	vshrl.u32 v22, $0x3;
	v16 =	vshll.u32 v16, v1;
	v19 =	vshrl.u32 v19, $0x3;
	[tilespmem:v14+s25+$0x0] =	vst.idx.add.f32.msk $0xffff, v3  }
0xe4: {  	v5 =	vshll.u32 v5, $0x4;
	v21 =	vshrl.u32 v21, $0x3;
	v17 =	vshrl.u32 v17, $0x3;
	[tilespmem:v11+s4+$0x0] =	vst.idx.add.f32.msk $0xffff, v13  }
0xe5: {  	v5 =	vor.u32 v2, v5;
	v23 =	vshrl.u32 v23, $0x3;
	v24 =	vshrl.u32 v24, $0x3;
	[tilespmem:v11+s24+$0x0] =	vst.idx.add.f32.msk $0xffff, v18  }
0xe6: {  	v18 =	vshrl.u32 v25, $0x3;
	v25 =	vshrl.u32 v26, $0x3;
	v26 =	vshrl.u32 v27, $0x3;
	[tilespmem:v11+s25+$0x0] =	vst.idx.add.f32.msk $0xffff, v3  }
0xe7: {  	v4 =	vshll.u32 v4, $0x4;
	v14 =	vshrl.u32 v28, $0x3;
	v13 =	vshrl.u32 v20, $0x3;
	[tilespmem:v32+s4+$0x0] =	vst.idx.add.f32.msk $0xffff, v12  }
0xe8: {  	v4 =	vor.u32 v2, v4;
	v9 =	vshrl.u32 v30, $0x3;
	v12 =	vshrl.u32 v29, $0x3;
	[tilespmem:v32+s24+$0x0] =	vst.idx.add.f32.msk $0xffff, v15  }
0xe9: {  	v11 =	vshrl.u32 v31, $0x3;
	v15 =	vshll.u32 v19, v1;
	v19 =	vshll.u32 v22, v1;
	[tilespmem:v32+s25+$0x0] =	vst.idx.add.f32.msk $0xffff, v3  }
0xea: {  	v16 =	vbroadcast v16, $0x0;
	v17 =	vshll.u32 v17, v1;
	v20 =	vshll.u32 v21, v1;
	[tilespmem:v5+s4+$0x0] =	vst.idx.add.f32.msk $0xffff, v8  }
0xeb: {  	v19 =	vbroadcast v19, $0x0;
	v8 =	vadd.s32 $0x1, v15;
	v15 =	vshll.u32 v23, v1;
	[tilespmem:v5+s24+$0x0] =	vst.idx.add.f32.msk $0xffff, v10  }
0xec: {  	v8 =	vbroadcast v8, $0x0;
	v10 =	vadd.s32 $0x2, v20;
	v20 =	vshll.u32 v24, v1;
	[tilespmem:v5+s25+$0x0] =	vst.idx.add.f32.msk $0xffff, v3  }
.Ltmp1:
0xed: {  	v18 =	vshll.u32 v18, v1;
	v10 =	vbroadcast v10, $0x0;
	v5 =	vadd.s32 $0x3, v17;
	[tilespmem:v4+s4+$0x0] =	vst.idx.add.f32.msk $0xffff, v6;
	(pc) =	sbr.rel @p1 .LBB2_5-.Ltmp1, $4  }
0xee: {  	v21 =	vshll.u32 v25, v1;
	v6 =	vbroadcast v5, $0x0;
	v5 =	vadd.s32 $0x4, v15;
	[tilespmem:v4+s24+$0x0] =	vst.idx.add.f32.msk $0xffff, v7  }
0xef: {  	s0 =	sadd.s32 $0xF, s2;
	v17 =	vshll.u32 v26, v1;
	v7 =	vbroadcast v5, $0x0;
	v5 =	vadd.s32 $0x5, v20;
	[tilespmem:v4+s25+$0x0] =	vst.idx.add.f32.msk $0xffff, v3  }
0xf0: {  	v20 =	vmov s0;
	v4 =	vld.idx.msk [tilespmem:v16+s19+$0x0], $0xffff;
	v16 =	vbroadcast v5, $0x0;
	v5 =	vadd.s32 $0x6, v18  }
0xf1: {  	s2 =	sadd.s32 $0x10, s2;
	v18 =	vadd.s32 $0x7, v21;
	v15 =	vbroadcast v5, $0x0;
	v5 =	vld.idx.msk [tilespmem:v19+s19+$0x0], $0xffff;
	v19 =	vshrl.u32 v20, $0x3  }
0xf2: {  	_ =	sdelay $0x3  }
0xf3: {  	v8 =	vld.idx.msk [tilespmem:v8+s19+$0x0], $0xffff  }
0xf4: {  	v10 =	vld.idx.msk [tilespmem:v10+s19+$0x0], $0xffff  }
0xf5: {  	v20 =	vld.idx.msk [tilespmem:v6+s19+$0x0], $0xffff  }
0xf6: {  	v7 =	vld.idx.msk [tilespmem:v7+s19+$0x0], $0xffff  }
0xf7: {  	v16 =	vld.idx.msk [tilespmem:v16+s19+$0x0], $0xffff  }
0xf8: {  	s0 =	sadd.s32 $0x100, s11;
	v15 =	vld.idx.msk [tilespmem:v15+s19+$0x0], $0xffff  }
0xf9: {  	v21 =	vld [tilespmem:s0+$0x70]  }
0xfa: {  	v22 =	vld [tilespmem:s0+$0xFFFFFF90]  }
0xfb: {  	v23 =	vld [tilespmem:s0+$0xFFFFFFA0]  }
0xfc: {  	v24 =	vld [tilespmem:s0+$0xFFFFFFB0]  }
0xfd: {  	v25 =	vld [tilespmem:s0+$0xFFFFFFC0]  }
0xfe: {  	v60 =	vld [tilespmem:s0+$0xFFFFFFE0]  }
0xff: {  	v61 =	vld [tilespmem:s0+$0xFFFFFFF0]  }
0x100: {  	v27 =	vld [tilespmem:s0+$0x0]  }
0x101: {  	v18 =	vbroadcast v18, $0x0;
	v17 =	vadd.s32 $0x1, v17;
	v19 =	vshll.u32 v19, v1;
	v28 =	vld [tilespmem:s0+$0x10]  }
0x102: {  	v14 =	vshll.u32 v14, v1;
	v17 =	vbroadcast v17, $0x0;
	v19 =	vadd.s32 $0x7, v19;
	v29 =	vld [tilespmem:s0+$0x20]  }
0x103: {  	v13 =	vshll.u32 v13, v1;
	v6 =	vadd.s32 $0x2, v14;
	v30 =	vld [tilespmem:s0+$0x30];
	v14 =	vbroadcast v19, $0x0  }
0x104: {  	v12 =	vshll.u32 v12, v1;
	v13 =	vadd.s32 $0x3, v13;
	v31 =	vld [tilespmem:s0+$0x40];
	v6 =	vbroadcast v6, $0x0  }
0x105: {  	v9 =	vshll.u32 v9, v1;
	v12 =	vadd.s32 $0x4, v12;
	v32 =	vld [tilespmem:s0+$0x50];
	v13 =	vbroadcast v13, $0x0  }
0x106: {  	v9 =	vadd.s32 $0x5, v9;
	v34 =	vld [tilespmem:s0+$0x60];
	v12 =	vbroadcast v12, $0x0  }
0x107: {  	v9 =	vbroadcast v9, $0x0;
	v18 =	vld.idx.msk [tilespmem:v18+s19+$0x0], $0xffff  }
0x108: {  	v17 =	vld.idx.msk [tilespmem:v17+s19+$0x0], $0xffff  }
0x109: {  	v8 =	vshll.u32 v8, $0x4;
	v14 =	vld.idx.msk [tilespmem:v14+s19+$0x0], $0xffff  }
0x10a: {  	v10 =	vshll.u32 v10, $0x4;
	v8 =	vor.u32 v2, v8;
	v19 =	vld.idx.msk [tilespmem:v6+s19+$0x0], $0xffff  }
0x10b: {  	v20 =	vshll.u32 v20, $0x4;
	v10 =	vor.u32 v2, v10;
	v13 =	vld.idx.msk [tilespmem:v13+s19+$0x0], $0xffff  }
0x10c: {  	v20 =	vor.u32 v2, v20;
	v12 =	vld.idx.msk [tilespmem:v12+s19+$0x0], $0xffff  }
0x10d: {  	v9 =	vld.idx.msk [tilespmem:v9+s19+$0x0], $0xffff  }
0x10e: {  	v6 =	vld [tilespmem:s0+$0xFFFFFF80]  }
0x10f: {  	[tilespmem:v8+s4+$0x0] =	vst.idx.add.f32.msk $0xffff, v22  }
0x110: {  	v33 =	vmul.f32 v22, v22;
	[tilespmem:v10+s4+$0x0] =	vst.idx.add.f32.msk $0xffff, v23  }
0x111: {  	v7 =	vshll.u32 v7, $0x4;
	v62 =	vmul.f32 v23, v23;
	[tilespmem:v20+s4+$0x0] =	vst.idx.add.f32.msk $0xffff, v24  }
0x112: {  	v7 =	vor.u32 v2, v7;
	[tilespmem:v8+s24+$0x0] =	vst.idx.add.f32.msk $0xffff, v33  }
0x113: {  	[tilespmem:v10+s24+$0x0] =	vst.idx.add.f32.msk $0xffff, v62;
	v14 =	vshll.u32 v14, $0x4  }
0x114: {  	[tilespmem:v8+s25+$0x0] =	vst.idx.add.f32.msk $0xffff, v3;
	v8 =	vmul.f32 v24, v24;
	v14 =	vor.u32 v2, v14  }
0x115: {  	v11 =	vshll.u32 v11, v1;
	[tilespmem:v10+s25+$0x0] =	vst.idx.add.f32.msk $0xffff, v3;
	v10 =	vshll.u32 v16, $0x4  }
0x116: {  	v11 =	vadd.s32 $0x6, v11;
	[tilespmem:v20+s24+$0x0] =	vst.idx.add.f32.msk $0xffff, v8;
	v8 =	vor.u32 v2, v10;
	v10 =	vmul.f32 v25, v25  }
0x117: {  	v11 =	vbroadcast v11, $0x0;
	[tilespmem:v7+s4+$0x0] =	vst.idx.add.f32.msk $0xffff, v25  }
0x118: {  	v5 =	vshll.u32 v5, $0x4;
	v26 =	vmul.f32 v21, v21;
	[tilespmem:v7+s24+$0x0] =	vst.idx.add.f32.msk $0xffff, v10  }
0x119: {  	v4 =	vshll.u32 v4, $0x4;
	v5 =	vor.u32 v2, v5;
	[tilespmem:v14+s4+$0x0] =	vst.idx.add.f32.msk $0xffff, v21  }
0x11a: {  	v4 =	vor.u32 v2, v4;
	[tilespmem:v14+s24+$0x0] =	vst.idx.add.f32.msk $0xffff, v26  }
0x11b: {  	v15 =	vshll.u32 v15, $0x4;
	[tilespmem:v14+s25+$0x0] =	vst.idx.add.f32.msk $0xffff, v3  }
0x11c: {  	v10 =	vor.u32 v2, v15;
	v14 =	vld [tilespmem:s0+$0xFFFFFFD0]  }
0x11d: {  	v11 =	vld.idx.msk [tilespmem:v11+s19+$0x0], $0xffff  }
0x11e: {  	[tilespmem:v5+s4+$0x0] =	vst.idx.add.f32.msk $0xffff, v27  }
0x11f: {  	[tilespmem:v4+s4+$0x0] =	vst.idx.add.f32.msk $0xffff, v6  }
0x120: {  	[tilespmem:v7+s25+$0x0] =	vst.idx.add.f32.msk $0xffff, v3  }
0x121: {  	v9 =	vshll.u32 v9, $0x4;
	[tilespmem:v10+s4+$0x0] =	vst.idx.add.f32.msk $0xffff, v60;
	v15 =	vmul.f32 v14, v14  }
0x122: {  	v9 =	vor.u32 v2, v9;
	v7 =	vshll.u32 v18, $0x4;
	[tilespmem:v8+s4+$0x0] =	vst.idx.add.f32.msk $0xffff, v14;
	v14 =	vmul.f32 v60, v60  }
0x123: {  	v7 =	vor.u32 v2, v7;
	[tilespmem:v8+s24+$0x0] =	vst.idx.add.f32.msk $0xffff, v15  }
0x124: {  	[tilespmem:v10+s24+$0x0] =	vst.idx.add.f32.msk $0xffff, v14  }
0x125: {  	[tilespmem:v8+s25+$0x0] =	vst.idx.add.f32.msk $0xffff, v3;
	v8 =	vshll.u32 v17, $0x4  }
0x126: {  	[tilespmem:v10+s25+$0x0] =	vst.idx.add.f32.msk $0xffff, v3;
	v10 =	vshll.u32 v19, $0x4;
	v8 =	vor.u32 v2, v8  }
0x127: {  	[tilespmem:v9+s4+$0x0] =	vst.idx.add.f32.msk $0xffff, v32;
	v14 =	vmul.f32 v61, v61;
	v10 =	vor.u32 v2, v10  }
0x128: {  	[tilespmem:v7+s4+$0x0] =	vst.idx.add.f32.msk $0xffff, v61  }
0x129: {  	[tilespmem:v7+s24+$0x0] =	vst.idx.add.f32.msk $0xffff, v14  }
0x12a: {  	[tilespmem:v7+s25+$0x0] =	vst.idx.add.f32.msk $0xffff, v3;
	v7 =	vshll.u32 v13, $0x4  }
0x12b: {  	v14 =	vmul.f32 v28, v28;
	v7 =	vor.u32 v2, v7;
	[tilespmem:v8+s4+$0x0] =	vst.idx.add.f32.msk $0xffff, v28  }
0x12c: {  	[tilespmem:v10+s4+$0x0] =	vst.idx.add.f32.msk $0xffff, v29  }
0x12d: {  	v13 =	vmul.f32 v29, v29;
	[tilespmem:v8+s24+$0x0] =	vst.idx.add.f32.msk $0xffff, v14  }
0x12e: {  	[tilespmem:v8+s25+$0x0] =	vst.idx.add.f32.msk $0xffff, v3;
	v8 =	vshll.u32 v12, $0x4  }
0x12f: {  	[tilespmem:v10+s24+$0x0] =	vst.idx.add.f32.msk $0xffff, v13;
	v12 =	vmul.f32 v30, v30;
	v8 =	vor.u32 v2, v8  }
0x130: {  	[tilespmem:v7+s4+$0x0] =	vst.idx.add.f32.msk $0xffff, v30  }
0x131: {  	[tilespmem:v7+s24+$0x0] =	vst.idx.add.f32.msk $0xffff, v12  }
0x132: {  	[tilespmem:v7+s25+$0x0] =	vst.idx.add.f32.msk $0xffff, v3;
	v7 =	vshll.u32 v11, $0x4  }
0x133: {  	[tilespmem:v10+s25+$0x0] =	vst.idx.add.f32.msk $0xffff, v3;
	v10 =	vmul.f32 v31, v31;
	v7 =	vor.u32 v2, v7  }
0x134: {  	[tilespmem:v8+s4+$0x0] =	vst.idx.add.f32.msk $0xffff, v31  }
0x135: {  	[tilespmem:v8+s24+$0x0] =	vst.idx.add.f32.msk $0xffff, v10;
	v10 =	vmul.f32 v32, v32  }
0x136: {  	s31 =	simm.s32 $0x3;
	[tilespmem:v8+s25+$0x0] =	vst.idx.add.f32.msk $0xffff, v3  }
0x137: {  	v13 =	vmov s31;
	s31 =	simm.s32 $0x6;
	[tilespmem:v9+s24+$0x0] =	vst.idx.add.f32.msk $0xffff, v10  }
0x138: {  	s5 =	simm.s32 $0x2;
	v15 =	vmov s31;
	s31 =	simm.s32 $0xA;
	v8 =	vmul.f32 v34, v34;
	[tilespmem:v7+s4+$0x0] =	vst.idx.add.f32.msk $0xffff, v34  }
0x139: {  	s11 =	sshll.u32 s15, $0x1;
	s13 =	simm.s32 $0x8;
	v17 =	vmov s31;
	v11 =	vmov s5;
	[tilespmem:v9+s25+$0x0] =	vst.idx.add.f32.msk $0xffff, v3  }
0x13a: {  	p1 =	seq.s32 s15, $0x1F;
	s3 =	simm.s32 $0x0;
	s31 =	simm.s32 $0xD;
	v12 =	vmov s13;
	v11 =	vshrl.u32 v11, $0x3;
	v10 =	vmul.f32 v27, v27;
	[tilespmem:v7+s24+$0x0] =	vst.idx.add.f32.msk $0xffff, v8  }
0x13b: {  	s29 =	simm.s32 $0x1;
	s0 =	sadd.s32 @!p1 $0x2, s11;
	v19 =	vmov s31;
	v11 =	vshll.u32 v11, v1;
	v8 =	vmov s3;
	[tilespmem:v7+s25+$0x0] =	vst.idx.add.f32.msk $0xffff, v3  }
0x13c: {  	s13 =	simm.s32 $0x7;
	s5 =	simm.s32 $0x4;
	v9 =	vmul.f32 v6, v6;
	v7 =	vshrl.u32 v8, $0x3;
	v8 =	vmov s29;
	s29 =	simm.s32 $0x5;
	[tilespmem:v5+s24+$0x0] =	vst.idx.add.f32.msk $0xffff, v10  }
0x13d: {  	s2 =	sshll.u32 @!p1 s0, $0x11;
	v10 =	vmov s5;
	s5 =	simm.s32 $0xE;
	v14 =	vmov s29;
	[tilespmem:v5+s25+$0x0] =	vst.idx.add.f32.msk $0xffff, v3;
	v5 =	vmov s13  }
0x13e: {  	s2 =	sor.u32 @!p1 s12, s2;
	s29 =	simm.s32 $0x9;
	s13 =	simm.s32 $0xB;
	[tilespmem:v4+s24+$0x0] =	vst.idx.add.f32.msk $0xffff, v9;
	v9 =	vmov s5;
	v7 =	vshll.u32 v7, v1;
	v8 =	vshrl.u32 v8, $0x3  }
0x13f: {  	s2 =	sshrl.u32 @!p1 s2, $0x3;
	v10 =	vshrl.u32 v10, $0x3;
	v16 =	vmov s29;
	v6 =	vmov s13  }
0x140: {  	s0 =	sshll.u32 @!p1 s0, $0x5;
	s2 =	sadd.s32 @!p1 s6, s2;
	s3 =	simm.s32 @!p1 $0x10;
	[tilespmem:v4+s25+$0x0] =	vst.idx.add.f32.msk $0xffff, v3;
	v4 =	vshrl.u32 v12, $0x3;
	v12 =	vshrl.u32 v13, $0x3;
	v13 =	vshrl.u32 v14, $0x3  }
0x141: {  	[tilespmem:v20+s25+$0x0] =	vst.idx.add.f32.msk $0xffff, v3;
	s5 =	simm.s32 @!p1 $0x200;
	s29 =	simm.s32 $0xC;
	s13 =	simm.s32 @!p1 $0xC000;
	v14 =	vshrl.u32 v15, $0x3;
	v5 =	vshrl.u32 v5, $0x3;
	v8 =	vshll.u32 v8, v1  }
0x142: {  	v9 =	vshrl.u32 v9, $0x3;
	v7 =	vbroadcast v7, $0x0;
	v10 =	vshll.u32 v10, v1;
	[tilespmem:s13], [sflag:$0x1] =	stream.strided.gather @!p1 [hbm4b:s2+s3], $0x1000, s5, s3, $0x38;
	[tilespmem:$0x110E0] =	vst v63  }
0x143: {  	s0 =	sadd.s32 @!p1 s1, s0;
	v18 =	vmov s29;
	v15 =	vshrl.u32 v16, $0x3;
	v16 =	vshrl.u32 v17, $0x3;
	s2 =	simm.s32 @!p1 $0x0;
	s3 =	simm.s32 @!p1 $0xE000  }
0x144: {  	v4 =	vshll.u32 v4, v1;
	v12 =	vshll.u32 v12, v1;
	v8 =	vadd.s32 $0x1, v8;
	[tilespmem:s3], [sflag:$0x3] =	stream.linear.gather @!p1 [hbm4b:s0+s2], $0x100, $0x38;
	[tilespmem:$0x110E0] =	vst v63  }
0x145: {  	v5 =	vshll.u32 v5, v1;
	v9 =	vshll.u32 v9, v1;
	v17 =	vshrl.u32 v18, $0x3;
	_ =	swait.ge [sflag:s26], $0x1000  }
0x146: {  	v18 =	vshrl.u32 v19, $0x3;
	v19 =	vbroadcast v4, $0x0;
	v8 =	vbroadcast v8, $0x0;
	[sflag:s26] =	ssyncset.done $0x0  }
0x147: {  	v4 =	vadd.s32 $0x2, v11;
	v11 =	vshll.u32 v13, v1;
	v15 =	vshll.u32 v15, v1;
	[sflag:s26] =	ssyncadd.s32 $0xFFFFF000  }
0x148: {  	v16 =	vshll.u32 v16, v1;
	v13 =	vbroadcast v4, $0x0;
	v4 =	vadd.s32 $0x3, v12;
	_ =	swait.ge [sflag:s28], $0x100  }
0x149: {  	v12 =	vshll.u32 v14, v1;
	v15 =	vadd.s32 $0x1, v15;
	v14 =	vbroadcast v4, $0x0;
	[sflag:s28] =	ssyncset.done $0x0  }
0x14a: {  	v16 =	vadd.s32 $0x2, v16;
	v4 =	vadd.s32 $0x4, v10;
	v15 =	vbroadcast v15, $0x0;
	[sflag:s28] =	ssyncadd.s32 $0xFFFFFF00  }
0x14b: {  	v9 =	vadd.s32 $0x6, v9;
	v16 =	vbroadcast v16, $0x0;
	v10 =	vbroadcast v4, $0x0;
	v4 =	vld.idx.msk [tilespmem:v7+s21+$0x0], $0xffff  }
0x14c: {  	v20 =	vadd.s32 $0x7, v5;
	v9 =	vbroadcast v9, $0x0;
	v5 =	vld.idx.msk [tilespmem:v19+s21+$0x0], $0xffff  }
0x14d: {  	v8 =	vld.idx.msk [tilespmem:v8+s21+$0x0], $0xffff  }
0x14e: {  	v13 =	vld.idx.msk [tilespmem:v13+s21+$0x0], $0xffff  }
0x14f: {  	v14 =	vld.idx.msk [tilespmem:v14+s21+$0x0], $0xffff  }
0x150: {  	v15 =	vld.idx.msk [tilespmem:v15+s21+$0x0], $0xffff  }
0x151: {  	v16 =	vld.idx.msk [tilespmem:v16+s21+$0x0], $0xffff  }
0x152: {  	s13 =	simm.s32 $0xD080;
	v9 =	vld.idx.msk [tilespmem:v9+s21+$0x0], $0xffff  }
0x153: {  	v36 =	vld [tilespmem:s13+$0xFFFFFF90]  }
0x154: {  	v37 =	vld [tilespmem:s13+$0xFFFFFFA0]  }
0x155: {  	v38 =	vld [tilespmem:s13+$0xFFFFFFB0]  }
0x156: {  	v39 =	vld [tilespmem:s13+$0xFFFFFFC0]  }
0x157: {  	v41 =	vld [tilespmem:s13+$0xFFFFFFE0]  }
0x158: {  	v6 =	vshrl.u32 v6, $0x3;
	v42 =	vld [tilespmem:s13+$0xFFFFFFF0]  }
0x159: {  	v6 =	vshll.u32 v6, v1;
	v11 =	vadd.s32 $0x5, v11;
	v43 =	vld [tilespmem:s13+$0x10]  }
0x15a: {  	s29 =	simm.s32 $0xF;
	v6 =	vadd.s32 $0x3, v6;
	v7 =	vbroadcast v11, $0x0;
	v44 =	vld [tilespmem:s13+$0x20]  }
0x15b: {  	v11 =	vadd.s32 $0x6, v12;
	v12 =	vmov s29;
	v19 =	vbroadcast v20, $0x0;
	v45 =	vld [tilespmem:s13+$0x30]  }
0x15c: {  	v6 =	vbroadcast v6, $0x0;
	v46 =	vld [tilespmem:s13+$0x40];
	v12 =	vshrl.u32 v12, $0x3  }
0x15d: {  	v47 =	vld [tilespmem:s13+$0x50];
	v12 =	vshll.u32 v12, v1  }
0x15e: {  	v49 =	vld [tilespmem:s13+$0x60];
	v11 =	vbroadcast v11, $0x0;
	v12 =	vadd.s32 $0x7, v12  }
0x15f: {  	v10 =	vld.idx.msk [tilespmem:v10+s21+$0x0], $0xffff;
	v12 =	vbroadcast v12, $0x0  }
0x160: {  	v17 =	vshll.u32 v17, v1;
	v8 =	vshll.u32 v8, $0x4;
	v13 =	vshll.u32 v13, $0x4;
	v20 =	vld.idx.msk [tilespmem:v7+s21+$0x0], $0xffff  }
0x161: {  	v7 =	vadd.s32 $0x4, v17;
	v17 =	vshll.u32 v18, v1;
	v18 =	vld.idx.msk [tilespmem:v19+s21+$0x0], $0xffff;
	v8 =	vor.u32 v2, v8  }
0x162: {  	v14 =	vshll.u32 v14, $0x4;
	v19 =	vld.idx.msk [tilespmem:v6+s21+$0x0], $0xffff;
	v13 =	vor.u32 v2, v13  }
0x163: {  	v4 =	vshll.u32 v4, $0x4;
	v6 =	vld [tilespmem:s13+$0xFFFFFF80];
	v14 =	vor.u32 v2, v14  }
0x164: {  	v4 =	vor.u32 v2, v4;
	v11 =	vld.idx.msk [tilespmem:v11+s21+$0x0], $0xffff  }
0x165: {  	v12 =	vld.idx.msk [tilespmem:v12+s21+$0x0], $0xffff  }
0x166: {  	v7 =	vbroadcast v7, $0x0;
	[tilespmem:v8+s4+$0x0] =	vst.idx.add.f32.msk $0xffff, v36  }
0x167: {  	[tilespmem:v13+s4+$0x0] =	vst.idx.add.f32.msk $0xffff, v37  }
0x168: {  	v48 =	vmul.f32 v36, v36;
	[tilespmem:v14+s4+$0x0] =	vst.idx.add.f32.msk $0xffff, v38  }
0x169: {  	v50 =	vmul.f32 v37, v37;
	v17 =	vadd.s32 $0x5, v17;
	[tilespmem:v4+s4+$0x0] =	vst.idx.add.f32.msk $0xffff, v6  }
0x16a: {  	v17 =	vbroadcast v17, $0x0;
	[tilespmem:v8+s24+$0x0] =	vst.idx.add.f32.msk $0xffff, v48  }
0x16b: {  	[tilespmem:v13+s24+$0x0] =	vst.idx.add.f32.msk $0xffff, v50  }
0x16c: {  	v63 =	vld.idx.msk [tilespmem:v7+s21+$0x0], $0xffff  }
0x16d: {  	[tilespmem:v8+s25+$0x0] =	vst.idx.add.f32.msk $0xffff, v3;
	v7 =	vshll.u32 v12, $0x4  }
0x16e: {  	v12 =	vld [tilespmem:s13+$0x70];
	v7 =	vor.u32 v2, v7  }
0x16f: {  	v11 =	vshll.u32 v11, $0x4;
	v8 =	vshll.u32 v10, $0x4;
	v10 =	vmul.f32 v38, v38;
	[tilespmem:v13+s25+$0x0] =	vst.idx.add.f32.msk $0xffff, v3  }
0x170: {  	v11 =	vor.u32 v2, v11;
	v17 =	vld.idx.msk [tilespmem:v17+s21+$0x0], $0xffff  }
0x171: {  	v8 =	vor.u32 v2, v8;
	[tilespmem:v14+s24+$0x0] =	vst.idx.add.f32.msk $0xffff, v10  }
0x172: {  	[tilespmem:v14+s25+$0x0] =	vst.idx.add.f32.msk $0xffff, v3  }
0x173: {  	[tilespmem:v7+s4+$0x0] =	vst.idx.add.f32.msk $0xffff, v12  }
0x174: {  	v13 =	vshll.u32 v20, $0x4;
	v40 =	vmul.f32 v12, v12;
	v12 =	vld [tilespmem:s13+$0xFFFFFFD0]  }
0x175: {  	v10 =	vor.u32 v2, v13;
	v13 =	vmul.f32 v39, v39;
	[tilespmem:v11+s4+$0x0] =	vst.idx.add.f32.msk $0xffff, v41  }
0x176: {  	[tilespmem:v8+s4+$0x0] =	vst.idx.add.f32.msk $0xffff, v39  }
0x177: {  	[tilespmem:v8+s24+$0x0] =	vst.idx.add.f32.msk $0xffff, v13  }
0x178: {  	[tilespmem:v8+s25+$0x0] =	vst.idx.add.f32.msk $0xffff, v3  }
0x179: {  	[tilespmem:v7+s24+$0x0] =	vst.idx.add.f32.msk $0xffff, v40;
	v13 =	vmul.f32 v12, v12  }
0x17a: {  	[tilespmem:v10+s4+$0x0] =	vst.idx.add.f32.msk $0xffff, v12;
	v12 =	vmul.f32 v41, v41  }
0x17b: {  	v8 =	vshll.u32 v18, $0x4;
	[tilespmem:v10+s24+$0x0] =	vst.idx.add.f32.msk $0xffff, v13  }
0x17c: {  	v8 =	vor.u32 v2, v8;
	[tilespmem:v11+s24+$0x0] =	vst.idx.add.f32.msk $0xffff, v12  }
0x17d: {  	[tilespmem:v10+s25+$0x0] =	vst.idx.add.f32.msk $0xffff, v3;
	v10 =	vshll.u32 v15, $0x4  }
0x17e: {  	[tilespmem:v11+s25+$0x0] =	vst.idx.add.f32.msk $0xffff, v3;
	v11 =	vshll.u32 v16, $0x4;
	v10 =	vor.u32 v2, v10  }
0x17f: {  	[tilespmem:v7+s25+$0x0] =	vst.idx.add.f32.msk $0xffff, v3;
	v11 =	vor.u32 v2, v11  }
0x180: {  	v7 =	vld [tilespmem:s13+$0x0];
	v12 =	vmul.f32 v42, v42  }
0x181: {  	v5 =	vshll.u32 v5, $0x4;
	[tilespmem:v8+s4+$0x0] =	vst.idx.add.f32.msk $0xffff, v42  }
0x182: {  	v5 =	vor.u32 v2, v5;
	[tilespmem:v8+s24+$0x0] =	vst.idx.add.f32.msk $0xffff, v12  }
0x183: {  	v12 =	vmul.f32 v43, v43;
	[tilespmem:v10+s4+$0x0] =	vst.idx.add.f32.msk $0xffff, v43  }
0x184: {  	v14 =	vmul.f32 v44, v44;
	v13 =	vshll.u32 v19, $0x4;
	[tilespmem:v11+s4+$0x0] =	vst.idx.add.f32.msk $0xffff, v44  }
0x185: {  	s5 =	simm.s32 $0x18;
	s3 =	simm.s32 $0x12;
	v19 =	vshll.u32 v63, $0x4;
	[tilespmem:v10+s24+$0x0] =	vst.idx.add.f32.msk $0xffff, v12;
	v12 =	vor.u32 v2, v13  }
0x186: {  	v52 =	vmov s5;
	v51 =	vmov s3;
	s3 =	simm.s32 $0x16;
	[tilespmem:v11+s24+$0x0] =	vst.idx.add.f32.msk $0xffff, v14;
	v14 =	vor.u32 v2, v19  }
0x187: {  	v22 =	vshrl.u32 v52, $0x3;
	v55 =	vmov s3;
	s3 =	simm.s32 $0x1C;
	[tilespmem:v5+s4+$0x0] =	vst.idx.add.f32.msk $0xffff, v7  }
0x188: {  	s31 =	simm.s32 $0x10;
	v21 =	vshrl.u32 v51, $0x3;
	v58 =	vmov s3;
	v25 =	vshrl.u32 v55, $0x3;
	[tilespmem:v8+s25+$0x0] =	vst.idx.add.f32.msk $0xffff, v3  }
0x189: {  	v20 =	vmul.f32 v49, v49;
	v17 =	vshll.u32 v17, $0x4;
	v18 =	vmov s31;
	s31 =	simm.s32 $0x14;
	[tilespmem:v10+s25+$0x0] =	vst.idx.add.f32.msk $0xffff, v3  }
0x18a: {  	v18 =	vshrl.u32 v18, $0x3;
	v53 =	vmov s31;
	v13 =	vmul.f32 v45, v45;
	[tilespmem:v12+s4+$0x0] =	vst.idx.add.f32.msk $0xffff, v45  }
0x18b: {  	v18 =	vshll.u32 v18, v1;
	v23 =	vshrl.u32 v53, $0x3;
	v16 =	vmul.f32 v46, v46;
	[tilespmem:v14+s4+$0x0] =	vst.idx.add.f32.msk $0xffff, v46  }
0x18c: {  	v9 =	vshll.u32 v9, $0x4;
	s31 =	simm.s32 $0x1A;
	v62 =	vshll.u32 v23, v1;
	[tilespmem:v12+s24+$0x0] =	vst.idx.add.f32.msk $0xffff, v13;
	v13 =	vor.u32 v2, v17  }
0x18d: {  	s2 =	simm.s32 $0x11;
	v57 =	vmov s31;
	v15 =	vmul.f32 v6, v6;
	[tilespmem:v14+s24+$0x0] =	vst.idx.add.f32.msk $0xffff, v16;
	v16 =	vor.u32 v2, v9  }
0x18e: {  	s29 =	simm.s32 $0x13;
	v8 =	vmul.f32 v7, v7;
	v19 =	vmov s2;
	s2 =	simm.s32 $0x15;
	v10 =	vmul.f32 v47, v47;
	[tilespmem:v11+s25+$0x0] =	vst.idx.add.f32.msk $0xffff, v3  }
0x18f: {  	v11 =	vmov s29;
	v54 =	vmov s2;
	s29 =	simm.s32 $0x19;
	v19 =	vshrl.u32 v19, $0x3;
	[tilespmem:v12+s25+$0x0] =	vst.idx.add.f32.msk $0xffff, v3  }
0x190: {  	s5 =	simm.s32 $0x17;
	v56 =	vmov s29;
	s29 =	simm.s32 $0x1E;
	v61 =	vshrl.u32 v11, $0x3;
	v24 =	vshrl.u32 v54, $0x3;
	[tilespmem:v14+s25+$0x0] =	vst.idx.add.f32.msk $0xffff, v3  }
0x191: {  	s2 =	simm.s32 $0x1B;
	v60 =	vmov s29;
	v26 =	vshrl.u32 v56, $0x3;
	v17 =	vmov s5;
	[tilespmem:v13+s4+$0x0] =	vst.idx.add.f32.msk $0xffff, v47  }
0x192: {  	v11 =	vshrl.u32 v60, $0x3;
	s5 =	simm.s32 $0x1D;
	v12 =	vmov s2;
	v17 =	vshrl.u32 v17, $0x3;
	[tilespmem:v16+s4+$0x0] =	vst.idx.add.f32.msk $0xffff, v49  }
0x193: {  	v59 =	vmov s5;
	v14 =	vshrl.u32 v57, $0x3;
	v63 =	vshll.u32 v17, v1;
	[tilespmem:v13+s24+$0x0] =	vst.idx.add.f32.msk $0xffff, v10  }
0x194: {  	v9 =	vshrl.u32 v59, $0x3;
	v17 =	vshll.u32 v26, v1;
	[tilespmem:v16+s24+$0x0] =	vst.idx.add.f32.msk $0xffff, v20;
	v10 =	vshll.u32 v19, v1  }
0x195: {  	v19 =	vshll.u32 v22, v1;
	v20 =	vshll.u32 v61, v1;
	[tilespmem:v16+s25+$0x0] =	vst.idx.add.f32.msk $0xffff, v3;
	v16 =	vbroadcast v18, $0x0  }
0x196: {  	[tilespmem:v5+s24+$0x0] =	vst.idx.add.f32.msk $0xffff, v8;
	v18 =	vshll.u32 v21, v1;
	v7 =	vadd.s32 $0x1, v10;
	v19 =	vbroadcast v19, $0x0  }
0x197: {  	[tilespmem:v13+s25+$0x0] =	vst.idx.add.f32.msk $0xffff, v3;
	v13 =	vshrl.u32 v12, $0x3;
	v8 =	vbroadcast v7, $0x0;
	v7 =	vadd.s32 $0x2, v18  }
0x198: {  	[tilespmem:v5+s25+$0x0] =	vst.idx.add.f32.msk $0xffff, v3;
	v12 =	vshrl.u32 v58, $0x3;
	v5 =	vadd.s32 $0x3, v20;
	v10 =	vbroadcast v7, $0x0  }
0x199: {  	[tilespmem:v4+s24+$0x0] =	vst.idx.add.f32.msk $0xffff, v15;
	v18 =	vshll.u32 v24, v1;
	v6 =	vbroadcast v5, $0x0;
	v5 =	vadd.s32 $0x4, v62  }
0x19a: {  	s31 =	simm.s32 $0x1F;
	[tilespmem:v4+s25+$0x0] =	vst.idx.add.f32.msk $0xffff, v3;
	v20 =	vshll.u32 v25, v1;
	v7 =	vbroadcast v5, $0x0;
	v5 =	vadd.s32 $0x5, v18  }
0x19b: {  	v4 =	vld.idx.msk [tilespmem:v16+s21+$0x0], $0xffff;
	v16 =	vbroadcast v5, $0x0;
	v5 =	vadd.s32 $0x6, v20;
	v20 =	vmov s31  }
0x19c: {  	s2 =	simm.s32 $0x20;
	v18 =	vadd.s32 $0x7, v63;
	v15 =	vbroadcast v5, $0x0;
	v5 =	vld.idx.msk [tilespmem:v19+s21+$0x0], $0xffff;
	v19 =	vshrl.u32 v20, $0x3  }
.LBB2_7:
0x19d: {  	p2 =	slt.u32 s2, $0xF0;
	v20 =	vld.idx.msk [tilespmem:v8+s21+$0x0], $0xffff;
	v8 =	vbroadcast v18, $0x0;
	v17 =	vadd.s32 $0x1, v17;
	v18 =	vshll.u32 v19, v1  }
0x19e: {  	v14 =	vshll.u32 v14, v1;
	v10 =	vld.idx.msk [tilespmem:v10+s21+$0x0], $0xffff;
	v17 =	vbroadcast v17, $0x0;
	v18 =	vadd.s32 $0x7, v18  }
0x19f: {  	v13 =	vshll.u32 v13, v1;
	v19 =	vld.idx.msk [tilespmem:v6+s21+$0x0], $0xffff;
	v6 =	vadd.s32 $0x2, v14;
	v14 =	vbroadcast v18, $0x0  }
0x1a0: {  	v12 =	vshll.u32 v12, v1;
	v18 =	vld.idx.msk [tilespmem:v7+s21+$0x0], $0xffff;
	v6 =	vbroadcast v6, $0x0;
	v7 =	vadd.s32 $0x3, v13  }
0x1a1: {  	v9 =	vshll.u32 v9, v1;
	v12 =	vadd.s32 $0x4, v12;
	v16 =	vld.idx.msk [tilespmem:v16+s21+$0x0], $0xffff;
	v7 =	vbroadcast v7, $0x0  }
0x1a2: {  	v11 =	vshll.u32 v11, v1;
	v9 =	vadd.s32 $0x5, v9;
	v12 =	vbroadcast v12, $0x0;
	v21 =	vld.idx.msk [tilespmem:v15+s21+$0x0], $0xffff  }
0x1a3: {  	v22 =	vld.idx.msk [tilespmem:v8+s21+$0x0], $0xffff;
	v8 =	vbroadcast v9, $0x0;
	v9 =	vadd.s32 $0x6, v11  }
0x1a4: {  	v17 =	vld.idx.msk [tilespmem:v17+s21+$0x0], $0xffff;
	v9 =	vbroadcast v9, $0x0  }
0x1a5: {  	v13 =	vld.idx.msk [tilespmem:v14+s21+$0x0], $0xffff  }
0x1a6: {  	v23 =	vld.idx.msk [tilespmem:v6+s21+$0x0], $0xffff  }
0x1a7: {  	v24 =	vld.idx.msk [tilespmem:v7+s21+$0x0], $0xffff  }
0x1a8: {  	v14 =	vld.idx.msk [tilespmem:v12+s21+$0x0], $0xffff  }
0x1a9: {  	v11 =	vld.idx.msk [tilespmem:v8+s21+$0x0], $0xffff  }
0x1aa: {  	s13 =	sadd.s32 $0x100, s13;
	v9 =	vld.idx.msk [tilespmem:v9+s21+$0x0], $0xffff  }
0x1ab: {  	v7 =	vshll.u32 v13, $0x4;
	v8 =	vld [tilespmem:s13+$0x70]  }
0x1ac: {  	v12 =	vor.u32 v2, v7;
	v6 =	vld [tilespmem:s13+$0xFFFFFF80]  }
0x1ad: {  	v15 =	vld [tilespmem:s13+$0xFFFFFF90]  }
0x1ae: {  	v25 =	vld [tilespmem:s13+$0xFFFFFFA0]  }
0x1af: {  	v26 =	vld [tilespmem:s13+$0xFFFFFFB0]  }
0x1b0: {  	v27 =	vld [tilespmem:s13+$0xFFFFFFC0];
	v13 =	vmul.f32 v8, v8  }
0x1b1: {  	v7 =	vmul.f32 v6, v6;
	[tilespmem:v12+s4+$0x0] =	vst.idx.add.f32.msk $0xffff, v8  }
0x1b2: {  	v28 =	vmul.f32 v15, v15;
	[tilespmem:v12+s24+$0x0] =	vst.idx.add.f32.msk $0xffff, v13  }
0x1b3: {  	v29 =	vmul.f32 v25, v25;
	[tilespmem:v12+s25+$0x0] =	vst.idx.add.f32.msk $0xffff, v3  }
0x1b4: {  	v30 =	vmul.f32 v26, v26;
	v31 =	vld [tilespmem:s13+$0xFFFFFFD0]  }
0x1b5: {  	v32 =	vmul.f32 v27, v27;
	v33 =	vld [tilespmem:s13+$0xFFFFFFE0]  }
0x1b6: {  	v34 =	vld [tilespmem:s13+$0xFFFFFFF0]  }
0x1b7: {  	v8 =	vld [tilespmem:s13+$0x0]  }
0x1b8: {  	v12 =	vshll.u32 v20, $0x4;
	v20 =	vld [tilespmem:s13+$0x10]  }
0x1b9: {  	v35 =	vor.u32 v2, v12;
	v36 =	vmul.f32 v31, v31;
	v37 =	vld [tilespmem:s13+$0x20]  }
0x1ba: {  	v38 =	vmul.f32 v33, v33;
	v39 =	vld [tilespmem:s13+$0x30]  }
0x1bb: {  	v10 =	vshll.u32 v10, $0x4;
	v40 =	vmul.f32 v34, v34;
	v41 =	vld [tilespmem:s13+$0x40]  }
0x1bc: {  	v42 =	vor.u32 v2, v10;
	v10 =	vmul.f32 v8, v8;
	v13 =	vld [tilespmem:s13+$0x50]  }
0x1bd: {  	v43 =	vmul.f32 v20, v20;
	v12 =	vld [tilespmem:s13+$0x60]  }
0x1be: {  	[tilespmem:v35+s4+$0x0] =	vst.idx.add.f32.msk $0xffff, v15;
	v15 =	vshll.u32 v19, $0x4;
	v19 =	vmul.f32 v37, v37  }
0x1bf: {  	[tilespmem:v35+s24+$0x0] =	vst.idx.add.f32.msk $0xffff, v28;
	v28 =	vor.u32 v2, v15;
	v44 =	vmul.f32 v39, v39  }
0x1c0: {  	[tilespmem:v35+s25+$0x0] =	vst.idx.add.f32.msk $0xffff, v3;
	v35 =	vmul.f32 v41, v41  }
0x1c1: {  	v15 =	vshll.u32 v18, $0x4;
	[tilespmem:v42+s4+$0x0] =	vst.idx.add.f32.msk $0xffff, v25;
	v18 =	vmul.f32 v13, v13  }
0x1c2: {  	v25 =	vor.u32 v2, v15;
	[tilespmem:v42+s24+$0x0] =	vst.idx.add.f32.msk $0xffff, v29;
	v15 =	vmul.f32 v12, v12  }
0x1c3: {  	[tilespmem:v42+s25+$0x0] =	vst.idx.add.f32.msk $0xffff, v3  }
0x1c4: {  	v16 =	vshll.u32 v16, $0x4;
	[tilespmem:v28+s4+$0x0] =	vst.idx.add.f32.msk $0xffff, v26  }
0x1c5: {  	v16 =	vor.u32 v2, v16;
	[tilespmem:v28+s24+$0x0] =	vst.idx.add.f32.msk $0xffff, v30  }
0x1c6: {  	[tilespmem:v28+s25+$0x0] =	vst.idx.add.f32.msk $0xffff, v3  }
0x1c7: {  	v21 =	vshll.u32 v21, $0x4;
	[tilespmem:v25+s4+$0x0] =	vst.idx.add.f32.msk $0xffff, v27  }
0x1c8: {  	v21 =	vor.u32 v2, v21;
	[tilespmem:v25+s24+$0x0] =	vst.idx.add.f32.msk $0xffff, v32  }
0x1c9: {  	[tilespmem:v25+s25+$0x0] =	vst.idx.add.f32.msk $0xffff, v3  }
0x1ca: {  	v22 =	vshll.u32 v22, $0x4;
	[tilespmem:v16+s4+$0x0] =	vst.idx.add.f32.msk $0xffff, v31  }
0x1cb: {  	v22 =	vor.u32 v2, v22;
	[tilespmem:v16+s24+$0x0] =	vst.idx.add.f32.msk $0xffff, v36  }
0x1cc: {  	[tilespmem:v16+s25+$0x0] =	vst.idx.add.f32.msk $0xffff, v3  }
0x1cd: {  	v16 =	vshll.u32 v17, $0x4;
	[tilespmem:v21+s4+$0x0] =	vst.idx.add.f32.msk $0xffff, v33  }
0x1ce: {  	v16 =	vor.u32 v2, v16;
	[tilespmem:v21+s24+$0x0] =	vst.idx.add.f32.msk $0xffff, v38  }
0x1cf: {  	[tilespmem:v21+s25+$0x0] =	vst.idx.add.f32.msk $0xffff, v3  }
0x1d0: {  	v17 =	vshll.u32 v23, $0x4;
	[tilespmem:v22+s4+$0x0] =	vst.idx.add.f32.msk $0xffff, v34  }
0x1d1: {  	v17 =	vor.u32 v2, v17;
	[tilespmem:v22+s24+$0x0] =	vst.idx.add.f32.msk $0xffff, v40  }
0x1d2: {  	[tilespmem:v22+s25+$0x0] =	vst.idx.add.f32.msk $0xffff, v3  }
0x1d3: {  	[tilespmem:v16+s4+$0x0] =	vst.idx.add.f32.msk $0xffff, v20;
	v20 =	vshll.u32 v24, $0x4  }
0x1d4: {  	[tilespmem:v16+s24+$0x0] =	vst.idx.add.f32.msk $0xffff, v43;
	v20 =	vor.u32 v2, v20  }
0x1d5: {  	[tilespmem:v16+s25+$0x0] =	vst.idx.add.f32.msk $0xffff, v3  }
0x1d6: {  	v14 =	vshll.u32 v14, $0x4;
	v16 =	vmov s2;
	[tilespmem:v17+s4+$0x0] =	vst.idx.add.f32.msk $0xffff, v37  }
0x1d7: {  	s0 =	sadd.s32 $0x1, s2;
	s3 =	sadd.s32 $0x2, s2;
	s5 =	sadd.s32 $0x8, s2;
	v14 =	vor.u32 v2, v14;
	v16 =	vshrl.u32 v16, $0x3;
	[tilespmem:v17+s24+$0x0] =	vst.idx.add.f32.msk $0xffff, v19  }
0x1d8: {  	v21 =	vmov s3;
	s3 =	sadd.s32 $0x4, s2;
	v22 =	vmov s5;
	v19 =	vmov s0;
	s0 =	sadd.s32 $0x3, s2;
	[tilespmem:v17+s25+$0x0] =	vst.idx.add.f32.msk $0xffff, v3  }
0x1d9: {  	v11 =	vshll.u32 v11, $0x4;
	v23 =	vmov s3;
	s3 =	sadd.s32 $0x6, s2;
	v17 =	vmov s0;
	s0 =	sadd.s32 $0x5, s2;
	[tilespmem:v20+s4+$0x0] =	vst.idx.add.f32.msk $0xffff, v39  }
0x1da: {  	v11 =	vor.u32 v2, v11;
	v25 =	vmov s3;
	s3 =	sadd.s32 $0x9, s2;
	s5 =	sadd.s32 $0xA, s2;
	v24 =	vmov s0;
	s0 =	sadd.s32 $0x7, s2;
	[tilespmem:v20+s24+$0x0] =	vst.idx.add.f32.msk $0xffff, v44  }
0x1db: {  	v27 =	vmov s3;
	s3 =	sadd.s32 $0xC, s2;
	v28 =	vmov s5;
	v26 =	vmov s0;
	s0 =	sadd.s32 $0xB, s2;
	[tilespmem:v20+s25+$0x0] =	vst.idx.add.f32.msk $0xffff, v3  }
0x1dc: {  	v9 =	vshll.u32 v9, $0x4;
	v29 =	vmov s3;
	s3 =	sadd.s32 $0xE, s2;
	v20 =	vmov s0;
	s0 =	sadd.s32 $0xD, s2;
	[tilespmem:v14+s4+$0x0] =	vst.idx.add.f32.msk $0xffff, v41  }
0x1dd: {  	v32 =	vor.u32 v2, v9;
	v31 =	vmov s3;
	v30 =	vmov s0;
	[tilespmem:v14+s24+$0x0] =	vst.idx.add.f32.msk $0xffff, v35  }
0x1de: {  	v22 =	vshrl.u32 v22, $0x3;
	v16 =	vshll.u32 v16, v1;
	v19 =	vshrl.u32 v19, $0x3;
	[tilespmem:v14+s25+$0x0] =	vst.idx.add.f32.msk $0xffff, v3  }
0x1df: {  	v5 =	vshll.u32 v5, $0x4;
	v21 =	vshrl.u32 v21, $0x3;
	v17 =	vshrl.u32 v17, $0x3;
	[tilespmem:v11+s4+$0x0] =	vst.idx.add.f32.msk $0xffff, v13  }
0x1e0: {  	v5 =	vor.u32 v2, v5;
	v23 =	vshrl.u32 v23, $0x3;
	v24 =	vshrl.u32 v24, $0x3;
	[tilespmem:v11+s24+$0x0] =	vst.idx.add.f32.msk $0xffff, v18  }
0x1e1: {  	v18 =	vshrl.u32 v25, $0x3;
	v25 =	vshrl.u32 v26, $0x3;
	v26 =	vshrl.u32 v27, $0x3;
	[tilespmem:v11+s25+$0x0] =	vst.idx.add.f32.msk $0xffff, v3  }
0x1e2: {  	v4 =	vshll.u32 v4, $0x4;
	v14 =	vshrl.u32 v28, $0x3;
	v13 =	vshrl.u32 v20, $0x3;
	[tilespmem:v32+s4+$0x0] =	vst.idx.add.f32.msk $0xffff, v12  }
0x1e3: {  	v4 =	vor.u32 v2, v4;
	v9 =	vshrl.u32 v30, $0x3;
	v12 =	vshrl.u32 v29, $0x3;
	[tilespmem:v32+s24+$0x0] =	vst.idx.add.f32.msk $0xffff, v15  }
0x1e4: {  	v11 =	vshrl.u32 v31, $0x3;
	v15 =	vshll.u32 v19, v1;
	v19 =	vshll.u32 v22, v1;
	[tilespmem:v32+s25+$0x0] =	vst.idx.add.f32.msk $0xffff, v3  }
0x1e5: {  	v16 =	vbroadcast v16, $0x0;
	v17 =	vshll.u32 v17, v1;
	v20 =	vshll.u32 v21, v1;
	[tilespmem:v5+s4+$0x0] =	vst.idx.add.f32.msk $0xffff, v8  }
0x1e6: {  	v19 =	vbroadcast v19, $0x0;
	v8 =	vadd.s32 $0x1, v15;
	v15 =	vshll.u32 v23, v1;
	[tilespmem:v5+s24+$0x0] =	vst.idx.add.f32.msk $0xffff, v10  }
0x1e7: {  	v8 =	vbroadcast v8, $0x0;
	v10 =	vadd.s32 $0x2, v20;
	v20 =	vshll.u32 v24, v1;
	[tilespmem:v5+s25+$0x0] =	vst.idx.add.f32.msk $0xffff, v3  }
.Ltmp2:
0x1e8: {  	v18 =	vshll.u32 v18, v1;
	v10 =	vbroadcast v10, $0x0;
	v5 =	vadd.s32 $0x3, v17;
	[tilespmem:v4+s4+$0x0] =	vst.idx.add.f32.msk $0xffff, v6;
	(pc) =	sbr.rel @p2 .LBB2_7-.Ltmp2, $4  }
0x1e9: {  	v21 =	vshll.u32 v25, v1;
	v6 =	vbroadcast v5, $0x0;
	v5 =	vadd.s32 $0x4, v15;
	[tilespmem:v4+s24+$0x0] =	vst.idx.add.f32.msk $0xffff, v7  }
0x1ea: {  	s0 =	sadd.s32 $0xF, s2;
	v17 =	vshll.u32 v26, v1;
	v7 =	vbroadcast v5, $0x0;
	v5 =	vadd.s32 $0x5, v20;
	[tilespmem:v4+s25+$0x0] =	vst.idx.add.f32.msk $0xffff, v3  }
0x1eb: {  	v20 =	vmov s0;
	v4 =	vld.idx.msk [tilespmem:v16+s21+$0x0], $0xffff;
	v16 =	vbroadcast v5, $0x0;
	v5 =	vadd.s32 $0x6, v18  }
0x1ec: {  	s2 =	sadd.s32 $0x10, s2;
	v18 =	vadd.s32 $0x7, v21;
	v15 =	vbroadcast v5, $0x0;
	v5 =	vld.idx.msk [tilespmem:v19+s21+$0x0], $0xffff;
	v19 =	vshrl.u32 v20, $0x3  }
0x1ed: {  	_ =	sdelay $0x3  }
0x1ee: {  	v8 =	vld.idx.msk [tilespmem:v8+s21+$0x0], $0xffff  }
0x1ef: {  	v10 =	vld.idx.msk [tilespmem:v10+s21+$0x0], $0xffff  }
0x1f0: {  	v6 =	vld.idx.msk [tilespmem:v6+s21+$0x0], $0xffff  }
0x1f1: {  	v7 =	vld.idx.msk [tilespmem:v7+s21+$0x0], $0xffff  }
0x1f2: {  	v16 =	vld.idx.msk [tilespmem:v16+s21+$0x0], $0xffff  }
0x1f3: {  	s0 =	sadd.s32 $0x100, s13;
	v15 =	vld.idx.msk [tilespmem:v15+s21+$0x0], $0xffff  }
0x1f4: {  	v20 =	vld [tilespmem:s0+$0x70]  }
0x1f5: {  	v21 =	vld [tilespmem:s0+$0xFFFFFF80]  }
0x1f6: {  	v22 =	vld [tilespmem:s0+$0xFFFFFF90]  }
0x1f7: {  	v23 =	vld [tilespmem:s0+$0xFFFFFFA0]  }
0x1f8: {  	v24 =	vld [tilespmem:s0+$0xFFFFFFB0]  }
0x1f9: {  	v25 =	vld [tilespmem:s0+$0xFFFFFFC0]  }
0x1fa: {  	v37 =	vld [tilespmem:s0+$0xFFFFFFD0]  }
0x1fb: {  	v38 =	vld [tilespmem:s0+$0xFFFFFFE0]  }
0x1fc: {  	v39 =	vld [tilespmem:s0+$0xFFFFFFF0]  }
0x1fd: {  	v27 =	vld [tilespmem:s0+$0x0]  }
0x1fe: {  	v18 =	vbroadcast v18, $0x0;
	v17 =	vadd.s32 $0x1, v17;
	v19 =	vshll.u32 v19, v1;
	v28 =	vld [tilespmem:s0+$0x10]  }
0x1ff: {  	v14 =	vshll.u32 v14, v1;
	v17 =	vbroadcast v17, $0x0;
	v19 =	vadd.s32 $0x7, v19;
	v29 =	vld [tilespmem:s0+$0x20]  }
0x200: {  	v13 =	vshll.u32 v13, v1;
	v14 =	vadd.s32 $0x2, v14;
	v30 =	vld [tilespmem:s0+$0x30];
	v19 =	vbroadcast v19, $0x0  }
0x201: {  	v12 =	vshll.u32 v12, v1;
	v13 =	vadd.s32 $0x3, v13;
	v31 =	vld [tilespmem:s0+$0x40];
	v14 =	vbroadcast v14, $0x0  }
0x202: {  	v9 =	vshll.u32 v9, v1;
	v12 =	vadd.s32 $0x4, v12;
	v32 =	vld [tilespmem:s0+$0x50];
	v13 =	vbroadcast v13, $0x0  }
0x203: {  	v11 =	vshll.u32 v11, v1;
	v9 =	vadd.s32 $0x5, v9;
	v34 =	vld [tilespmem:s0+$0x60];
	v12 =	vbroadcast v12, $0x0  }
0x204: {  	v11 =	vadd.s32 $0x6, v11;
	v9 =	vbroadcast v9, $0x0;
	v18 =	vld.idx.msk [tilespmem:v18+s21+$0x0], $0xffff  }
0x205: {  	v11 =	vbroadcast v11, $0x0;
	v17 =	vld.idx.msk [tilespmem:v17+s21+$0x0], $0xffff  }
0x206: {  	v4 =	vshll.u32 v4, $0x4;
	v19 =	vld.idx.msk [tilespmem:v19+s21+$0x0], $0xffff  }
0x207: {  	v5 =	vshll.u32 v5, $0x4;
	v4 =	vor.u32 v2, v4;
	v14 =	vld.idx.msk [tilespmem:v14+s21+$0x0], $0xffff  }
0x208: {  	v5 =	vor.u32 v2, v5;
	v13 =	vld.idx.msk [tilespmem:v13+s21+$0x0], $0xffff  }
0x209: {  	v8 =	vshll.u32 v8, $0x4;
	v12 =	vld.idx.msk [tilespmem:v12+s21+$0x0], $0xffff  }
0x20a: {  	v10 =	vshll.u32 v10, $0x4;
	v8 =	vor.u32 v2, v8;
	v9 =	vld.idx.msk [tilespmem:v9+s21+$0x0], $0xffff  }
0x20b: {  	v6 =	vshll.u32 v6, $0x4;
	v10 =	vor.u32 v2, v10;
	v11 =	vld.idx.msk [tilespmem:v11+s21+$0x0], $0xffff  }
0x20c: {  	v7 =	vshll.u32 v7, $0x4;
	v6 =	vor.u32 v2, v6;
	v63 =	vmul.f32 v21, v21;
	[tilespmem:v4+s4+$0x0] =	vst.idx.add.f32.msk $0xffff, v21  }
0x20d: {  	v42 =	vshll.u32 v16, $0x4;
	v7 =	vor.u32 v2, v7;
	[tilespmem:v5+s4+$0x0] =	vst.idx.add.f32.msk $0xffff, v27  }
0x20e: {  	v43 =	vor.u32 v2, v42;
	[tilespmem:v4+s24+$0x0] =	vst.idx.add.f32.msk $0xffff, v63  }
0x20f: {  	[tilespmem:v8+s4+$0x0] =	vst.idx.add.f32.msk $0xffff, v22  }
0x210: {  	[tilespmem:v10+s4+$0x0] =	vst.idx.add.f32.msk $0xffff, v23  }
0x211: {  	[tilespmem:v6+s4+$0x0] =	vst.idx.add.f32.msk $0xffff, v24  }
0x212: {  	v62 =	vmul.f32 v27, v27;
	[tilespmem:v7+s4+$0x0] =	vst.idx.add.f32.msk $0xffff, v25  }
0x213: {  	[tilespmem:v43+s4+$0x0] =	vst.idx.add.f32.msk $0xffff, v37  }
0x214: {  	v33 =	vmul.f32 v22, v22;
	[tilespmem:v5+s24+$0x0] =	vst.idx.add.f32.msk $0xffff, v62  }
0x215: {  	v40 =	vmul.f32 v23, v23;
	[tilespmem:v4+s25+$0x0] =	vst.idx.add.f32.msk $0xffff, v3  }
0x216: {  	v41 =	vmul.f32 v24, v24;
	[tilespmem:v8+s24+$0x0] =	vst.idx.add.f32.msk $0xffff, v33  }
0x217: {  	v44 =	vmul.f32 v25, v25;
	[tilespmem:v10+s24+$0x0] =	vst.idx.add.f32.msk $0xffff, v40  }
0x218: {  	v46 =	vmul.f32 v37, v37;
	[tilespmem:v6+s24+$0x0] =	vst.idx.add.f32.msk $0xffff, v41  }
0x219: {  	[tilespmem:v7+s24+$0x0] =	vst.idx.add.f32.msk $0xffff, v44  }
0x21a: {  	[tilespmem:v43+s24+$0x0] =	vst.idx.add.f32.msk $0xffff, v46  }
0x21b: {  	v45 =	vshll.u32 v15, $0x4;
	[tilespmem:v5+s25+$0x0] =	vst.idx.add.f32.msk $0xffff, v3  }
0x21c: {  	v47 =	vshll.u32 v18, $0x4;
	[tilespmem:v6+s25+$0x0] =	vst.idx.add.f32.msk $0xffff, v3;
	v6 =	vor.u32 v2, v45  }
0x21d: {  	v49 =	vshll.u32 v17, $0x4;
	[tilespmem:v7+s25+$0x0] =	vst.idx.add.f32.msk $0xffff, v3;
	v7 =	vor.u32 v2, v47  }
0x21e: {  	v19 =	vshll.u32 v19, $0x4;
	[tilespmem:v8+s25+$0x0] =	vst.idx.add.f32.msk $0xffff, v3;
	v8 =	vor.u32 v2, v49  }
0x21f: {  	[tilespmem:v10+s25+$0x0] =	vst.idx.add.f32.msk $0xffff, v3;
	v19 =	vor.u32 v2, v19  }
0x220: {  	[tilespmem:v43+s25+$0x0] =	vst.idx.add.f32.msk $0xffff, v3  }
0x221: {  	[tilespmem:v6+s4+$0x0] =	vst.idx.add.f32.msk $0xffff, v38  }
0x222: {  	[tilespmem:v7+s4+$0x0] =	vst.idx.add.f32.msk $0xffff, v39  }
0x223: {  	v48 =	vmul.f32 v38, v38;
	[tilespmem:v8+s4+$0x0] =	vst.idx.add.f32.msk $0xffff, v28  }
0x224: {  	v50 =	vmul.f32 v39, v39;
	[tilespmem:v19+s4+$0x0] =	vst.idx.add.f32.msk $0xffff, v20  }
0x225: {  	v52 =	vmul.f32 v28, v28;
	[tilespmem:v6+s24+$0x0] =	vst.idx.add.f32.msk $0xffff, v48  }
0x226: {  	[tilespmem:v7+s24+$0x0] =	vst.idx.add.f32.msk $0xffff, v50  }
0x227: {  	v51 =	vshll.u32 v14, $0x4;
	[tilespmem:v8+s24+$0x0] =	vst.idx.add.f32.msk $0xffff, v52  }
0x228: {  	v26 =	vmul.f32 v20, v20;
	v53 =	vshll.u32 v13, $0x4;
	[tilespmem:v6+s25+$0x0] =	vst.idx.add.f32.msk $0xffff, v3;
	v6 =	vor.u32 v2, v51  }
0x229: {  	[tilespmem:v7+s25+$0x0] =	vst.idx.add.f32.msk $0xffff, v3;
	v7 =	vor.u32 v2, v53  }
0x22a: {  	[tilespmem:v19+s24+$0x0] =	vst.idx.add.f32.msk $0xffff, v26  }
0x22b: {  	[tilespmem:v8+s25+$0x0] =	vst.idx.add.f32.msk $0xffff, v3  }
0x22c: {  	[tilespmem:v19+s25+$0x0] =	vst.idx.add.f32.msk $0xffff, v3  }
0x22d: {  	v54 =	vmul.f32 v29, v29;
	v55 =	vshll.u32 v12, $0x4;
	[tilespmem:v6+s4+$0x0] =	vst.idx.add.f32.msk $0xffff, v29  }
0x22e: {  	v56 =	vmul.f32 v30, v30;
	v8 =	vor.u32 v2, v55;
	[tilespmem:v7+s4+$0x0] =	vst.idx.add.f32.msk $0xffff, v30  }
0x22f: {  	[tilespmem:v6+s24+$0x0] =	vst.idx.add.f32.msk $0xffff, v54  }
0x230: {  	v57 =	vshll.u32 v9, $0x4;
	[tilespmem:v7+s24+$0x0] =	vst.idx.add.f32.msk $0xffff, v56  }
0x231: {  	v59 =	vshll.u32 v11, $0x4;
	[tilespmem:v6+s25+$0x0] =	vst.idx.add.f32.msk $0xffff, v3;
	v6 =	vor.u32 v2, v57  }
0x232: {  	v58 =	vmul.f32 v31, v31;
	[tilespmem:v7+s25+$0x0] =	vst.idx.add.f32.msk $0xffff, v3;
	v7 =	vor.u32 v2, v59  }
0x233: {  	[tilespmem:v8+s4+$0x0] =	vst.idx.add.f32.msk $0xffff, v31  }
0x234: {  	[tilespmem:v8+s24+$0x0] =	vst.idx.add.f32.msk $0xffff, v58  }
0x235: {  	[tilespmem:v8+s25+$0x0] =	vst.idx.add.f32.msk $0xffff, v3  }
0x236: {  	v60 =	vmul.f32 v32, v32;
	[tilespmem:v6+s4+$0x0] =	vst.idx.add.f32.msk $0xffff, v32  }
.Ltmp3:
0x237: {  	v61 =	vmul.f32 v34, v34;
	[tilespmem:v7+s4+$0x0] =	vst.idx.add.f32.msk $0xffff, v34;
	(pc) =	sbr.rel @p1 .LBB2_10-.Ltmp3, $4  }
0x238: {  	[tilespmem:v6+s24+$0x0] =	vst.idx.add.f32.msk $0xffff, v60  }
0x239: {  	[tilespmem:v7+s24+$0x0] =	vst.idx.add.f32.msk $0xffff, v61  }
0x23a: {  	[tilespmem:v6+s25+$0x0] =	vst.idx.add.f32.msk $0xffff, v3  }
0x23b: {  	[tilespmem:v7+s25+$0x0] =	vst.idx.add.f32.msk $0xffff, v3  }
0x23c: {  	s0 =	sadd.s32 $0x3, s11  }
0x23d: {  	s2 =	sshll.u32 s0, $0x11  }
0x23e: {  	s2 =	sor.u32 s12, s2  }
.Ltmp4:
0x23f: {  	s2 =	sshrl.u32 s2, $0x3;
	(pc) =	sbr.rel .LBB2_4-.Ltmp4, $4  }
0x240: {  	s0 =	sshll.u32 s0, $0x5;
	s2 =	sadd.s32 s6, s2  }
0x241: {  	[tilespmem:s20], [sflag:$0x2] =	stream.strided.gather [hbm4b:s2+s16], $0x1000, s17, s16, $0x38;
	[tilespmem:$0x110E0] =	vst v63  }
0x242: {  	s15 =	sadd.s32 $0x1, s15;
	s0 =	sadd.s32 s1, s0  }
0x243: {  	[tilespmem:s21], [sflag:$0x4] =	stream.linear.gather [hbm4b:s0+s4], $0x100, $0x38;
	[tilespmem:$0x110E0] =	vst v63  }
.LBB2_10:
0x244: {  	s11 =	simm.s32 $0x0;
	s13 =	simm.s32 $0x8040  }
0x245: {  	s14 =	simm.s32 $0x40;
	s15 =	simm.s32 $0x4040;
	s2 =	simm.s32 $0x0  }
.LBB2_11:
0x246: {  	s0 =	smul.u32 $0xFA00, s2;
	_ =	sdelay $0x1  }
0x247: {  	s0 =	sor.u32 s12, s0  }
0x248: {  	s20 =	rddreg [dreg:$0x2];
	s3 =	sshrl.u32 s0, $0x3  }
0x249: {  	s5 =	simm.s32 $0xE200;
	s0 =	sadd.s32 s20, s3  }
0x24a: {  	[tilespmem:s5], [sflag:$0x6] =	stream.strided.gather [hbm4b:s0+s16], $0x7D0, s17, s16, $0x38;
	[tilespmem:$0x110E0] =	vst v63  }
0x24b: {  	_ =	swait.ge [sflag:s30], $0x7D0  }
0x24c: {  	[sflag:s30] =	ssyncset.done $0x0  }
0x24d: {  	[sflag:s30] =	ssyncadd.s32 $0xFFFFF830  }
0x24e: {  	s5 =	rddreg [dreg:$0x3]  }
0x24f: {  	s20 =	simm.s32 $0xE9D0;
	s0 =	sadd.s32 s5, s3  }
0x250: {  	[tilespmem:s20], [sflag:$0x6] =	stream.strided.gather [hbm4b:s0+s16], $0x7D0, s17, s16, $0x38;
	[tilespmem:$0x110E0] =	vst v63  }
0x251: {  	s20 =	smul.u32 $0xFA, s2;
	_ =	swait.ge [sflag:s30], $0x7D0  }
0x252: {  	[sflag:s30] =	ssyncset.done $0x0  }
0x253: {  	v4 =	vmov s13;
	s5 =	simm.s32 $0xF1A0;
	s0 =	sadd.s32 s7, s20;
	[sflag:s30] =	ssyncadd.s32 $0xFFFFF830  }
0x254: {  	[tilespmem:s5], [sflag:$0x6] =	stream.linear.gather [hbm4b:s0+s11], $0x7D0, $0x38;
	[tilespmem:$0x110E0] =	vst v63  }
0x255: {  	_ =	swait.ge [sflag:s30], $0x7D0  }
0x256: {  	[sflag:s30] =	ssyncset.done $0x0  }
0x257: {  	s29 =	simm.s32 $0x0;
	[sflag:s30] =	ssyncadd.s32 $0xFFFFF830  }
0x258: {  	v6 =	vld.idx.msk [tilespmem:v4+s29+$0x0 ss:$0x1], $0xffff  }
0x259: {  	v7 =	vld [tilespmem:s29+$0xF1E0]  }
0x25a: {  	v8 =	vld.idx.msk [tilespmem:v4+s29+$0xFFFFFFC0 ss:$0x1], $0xffff  }
0x25b: {  	v9 =	vld.idx.msk [tilespmem:v4+s29+$0xFFFFFFD0 ss:$0x1], $0xffff  }
0x25c: {  	v10 =	vld.idx.msk [tilespmem:v4+s29+$0xFFFFFFE0 ss:$0x1], $0xffff  }
0x25d: {  	v13 =	vld [tilespmem:s29+$0xF1A0]  }
0x25e: {  	v14 =	vld [tilespmem:s29+$0xF1B0]  }
0x25f: {  	v12 =	vld [tilespmem:s29+$0xE240]  }
0x260: {  	v21 =	vld [tilespmem:s29+$0xF1C0];
	v11 =	vadd.f32 v7, v6  }
0x261: {  	v5 =	vmov s14;
	v15 =	vld.idx.msk [tilespmem:v4+s29+$0xFFFFFFF0 ss:$0x1], $0xffff  }
0x262: {  	v24 =	vld [tilespmem:s29+$0xF1D0];
	v6 =	vmov s15;
	v16 =	vmax.f32 v11, $1.000000000e+00  }
0x263: {  	[tilespmem:s29+$0x10950] =	vst v11;
	v11 =	vld [tilespmem:s29+$0xEA10];
	(erf) = vrcp.f32 v16  }
0x264: {  	v19 =	vld [tilespmem:s29+$0xE200];
	v8 =	vadd.f32 v13, v8  }
0x265: {  	v20 =	vld [tilespmem:s29+$0xE210];
	v9 =	vadd.f32 v14, v9  }
0x266: {  	v18 =	vmul.f32 v12, v12;
	[tilespmem:s29+$0x10910] =	vst v8;
	v16 =	vld.idx.msk [tilespmem:v5+s29+$0x0 ss:$0x1], $0xffff  }
0x267: {  	v10 =	vadd.f32 v21, v10;
	[tilespmem:s29+$0x10920] =	vst v9;
	v8 =	vmax.f32 v8, $1.000000000e+00;
	v9 =	vmax.f32 v9, $1.000000000e+00;
	v17 =	vld.idx.msk [tilespmem:v6+s29+$0x0 ss:$0x1], $0xffff  }
0x268: {  	(erf) = vrcp.f32 v8;
	v8 =	vmul.f32 v12, v7;
	v12 =	vld [tilespmem:s29+$0xE220];
	v11 =	vadd.f32 v18, v11  }
0x269: {  	[tilespmem:s29+$0x10930] =	vst v10;
	(erf) = vrcp.f32 v9;
	v9 =	vmax.f32 v10, $1.000000000e+00;
	v10 =	vadd.f32 v24, v15;
	v15 =	vld [tilespmem:s29+$0xE9E0]  }
0x26a: {  	v18 =	vld [tilespmem:s29+$0xE230];
	v7 =	vmul.f32 v11, v7  }
0x26b: {  	(erf) = vrcp.f32 v9;
	[tilespmem:s29+$0x10940] =	vst v10;
	v10 =	vmax.f32 v10, $1.000000000e+00;
	v8 =	vadd.f32 v8, v16;
	v11 =	vld [tilespmem:s29+$0xE9D0]  }
0x26c: {  	v22 =	vld [tilespmem:s29+$0xEA00];
	v29 =	vmul.f32 v19, v13;
	v7 =	vadd.f32 v7, v17;
	v9 =	vpop (erf);
	(erf) = vrcp.f32 v10  }
0x26d: {  	v16 =	vmul.f32 v19, v19;
	v17 =	vld [tilespmem:s29+$0xE9F0];
	v8 =	vmul.f32 v8, v9  }
0x26e: {  	v23 =	vld.idx.msk [tilespmem:v5+s29+$0xFFFFFFC0 ss:$0x1], $0xffff;
	v7 =	vmul.f32 v7, v9;
	v9 =	vmul.f32 v20, v20  }
0x26f: {  	v10 =	vld.idx.msk [tilespmem:v5+s29+$0xFFFFFFD0 ss:$0x1], $0xffff;
	v27 =	vmul.f32 v18, v18;
	[tilespmem:s29+$0xF9B0] =	vst v8;
	v8 =	vmul.f32 v8, v8  }
0x270: {  	v25 =	vmul.f32 v12, v12;
	v26 =	vadd.f32 v16, v11;
	v11 =	vld.idx.msk [tilespmem:v5+s29+$0xFFFFFFE0 ss:$0x1], $0xffff;
	v9 =	vadd.f32 v9, v15  }
0x271: {  	v19 =	vmul.f32 v20, v14;
	v16 =	vmul.f32 v12, v21;
	v12 =	vld.idx.msk [tilespmem:v5+s29+$0xFFFFFFF0 ss:$0x1], $0xffff;
	v63 =	vadd.f32 v27, v22  }
0x272: {  	v22 =	vmul.f32 v18, v24;
	v18 =	vld.idx.msk [tilespmem:v6+s29+$0xFFFFFFD0 ss:$0x1], $0xffff;
	v25 =	vadd.f32 v25, v17;
	v28 =	vsub.f32 v7, v8;
	v7 =	vpop (erf)  }
0x273: {  	v23 =	vadd.f32 v29, v23;
	v15 =	vld.idx.msk [tilespmem:v6+s29+$0xFFFFFFC0 ss:$0x1], $0xffff;
	v17 =	vmul.f32 v26, v13;
	v20 =	vmul.f32 v9, v14;
	v8 =	vpop (erf)  }
0x274: {  	s31 =	simm.s32 $0x0;
	s0 =	simm.s32 $0x140;
	v14 =	vmul.f32 v63, v24;
	v13 =	vmul.f32 v25, v21;
	v21 =	vld.idx.msk [tilespmem:v6+s29+$0xFFFFFFE0 ss:$0x1], $0xffff;
	[tilespmem:s29+$0x10180] =	vst v28;
	v9 =	vpop (erf)  }
.LBB2_12:
0x275: {  	s5 =	sshra.s32 s0, $0x2;
	s31 =	sadd.s32 $0x5, s31;
	v10 =	vadd.f32 v19, v10;
	v19 =	vld.idx.msk [tilespmem:v6+s29+$0xFFFFFFF0 ss:$0x1], $0xffff;
	v24 =	vpop (erf)  }
0x276: {  	v11 =	vadd.f32 v16, v11;
	v25 =	vld.idx.msk [tilespmem:v4+s5+$0x0 ss:$0x1], $0xffff;
	p1 =	slt.u32 s31, $0x78;
	v23 =	vmul.f32 v23, v7  }
0x277: {  	v12 =	vadd.f32 v22, v12;
	v16 =	vld [tilespmem:s5+$0xF1E0];
	v10 =	vmul.f32 v10, v8  }
0x278: {  	v15 =	vadd.f32 v17, v15;
	v11 =	vmul.f32 v11, v9;
	v22 =	vld.idx.msk [tilespmem:v4+s5+$0xFFFFFFC0 ss:$0x1], $0xffff;
	v17 =	vmul.f32 v23, v23  }
0x279: {  	v18 =	vadd.f32 v20, v18;
	v12 =	vmul.f32 v12, v24;
	v26 =	vld.idx.msk [tilespmem:v4+s5+$0xFFFFFFD0 ss:$0x1], $0xffff;
	v20 =	vmul.f32 v10, v10  }
0x27a: {  	v7 =	vmul.f32 v15, v7;
	v13 =	vadd.f32 v13, v21;
	v15 =	vmul.f32 v11, v11;
	v27 =	vld.idx.msk [tilespmem:v4+s5+$0xFFFFFFE0 ss:$0x1], $0xffff  }
0x27b: {  	v8 =	vmul.f32 v18, v8;
	v14 =	vadd.f32 v14, v19;
	v18 =	vmul.f32 v12, v12;
	v21 =	vld.idx.msk [tilespmem:v4+s5+$0xFFFFFFF0 ss:$0x1], $0xffff  }
0x27c: {  	v7 =	vsub.f32 v7, v17;
	v9 =	vmul.f32 v13, v9;
	v28 =	vld [tilespmem:s5+$0xF1A0];
	v19 =	vadd.f32 v16, v25;
	[tilespmem:s29+$0xF970] =	vst v23  }
0x27d: {  	v8 =	vsub.f32 v8, v20;
	v13 =	vld [tilespmem:s5+$0xF1B0];
	[tilespmem:s29+$0xF980] =	vst v10;
	v10 =	vmul.f32 v14, v24  }
0x27e: {  	v14 =	vmax.f32 v19, $1.000000000e+00;
	v17 =	vld [tilespmem:s5+$0xE240];
	[tilespmem:s29+$0x10140] =	vst v7;
	v7 =	vsub.f32 v9, v15  }
0x27f: {  	v9 =	vld [tilespmem:s5+$0xF1C0];
	(erf) = vrcp.f32 v14;
	[tilespmem:s29+$0x10150] =	vst v8;
	v8 =	vsub.f32 v10, v18  }
0x280: {  	[tilespmem:s5+$0x10950] =	vst v19;
	v10 =	vld [tilespmem:s5+$0xEA10]  }
0x281: {  	v14 =	vadd.f32 v28, v22;
	v15 =	vld.idx.msk [tilespmem:v5+s5+$0x0 ss:$0x1], $0xffff;
	[tilespmem:s29+$0x10160] =	vst v7  }
0x282: {  	v7 =	vadd.f32 v13, v26;
	v24 =	vld [tilespmem:s5+$0xF1D0];
	[tilespmem:s29+$0x10170] =	vst v8  }
0x283: {  	[tilespmem:s5+$0x10910] =	vst v14;
	v8 =	vmax.f32 v14, $1.000000000e+00;
	v14 =	vld.idx.msk [tilespmem:v6+s5+$0x0 ss:$0x1], $0xffff;
	v18 =	vmul.f32 v17, v17  }
0x284: {  	v19 =	vld [tilespmem:s5+$0xE200];
	[tilespmem:s5+$0x10920] =	vst v7;
	v7 =	vmax.f32 v7, $1.000000000e+00;
	v20 =	vadd.f32 v9, v27;
	(erf) = vrcp.f32 v8  }
0x285: {  	v17 =	vmul.f32 v17, v16;
	v8 =	vld [tilespmem:s5+$0xE210];
	v10 =	vadd.f32 v18, v10;
	(erf) = vrcp.f32 v7;
	[tilespmem:s29+$0xF990] =	vst v11  }
0x286: {  	[tilespmem:s5+$0x10930] =	vst v20;
	v22 =	vmax.f32 v20, $1.000000000e+00;
	v18 =	vld [tilespmem:s5+$0xE220]  }
0x287: {  	v15 =	vadd.f32 v17, v15;
	v11 =	vadd.f32 v24, v21;
	v20 =	vld [tilespmem:s5+$0xE230];
	v10 =	vmul.f32 v10, v16;
	[tilespmem:s29+$0xF9A0] =	vst v12;
	s29 =	smov.u32 s5  }
0x288: {  	v12 =	vld [tilespmem:s29+$0xE9D0];
	(erf) = vrcp.f32 v22;
	v7 =	vpop (erf)  }
0x289: {  	v16 =	vld [tilespmem:s29+$0xE9E0];
	[tilespmem:s29+$0x10940] =	vst v11;
	v11 =	vmax.f32 v11, $1.000000000e+00;
	v15 =	vmul.f32 v15, v7;
	v10 =	vadd.f32 v10, v14  }
0x28a: {  	v14 =	vmul.f32 v19, v19;
	v17 =	vld [tilespmem:s29+$0xE9F0];
	(erf) = vrcp.f32 v11  }
0x28b: {  	v21 =	vld [tilespmem:s29+$0xEA00];
	[tilespmem:s29+$0xF9B0] =	vst v15;
	v27 =	vmul.f32 v10, v7;
	v11 =	vmul.f32 v15, v15  }
0x28c: {  	v15 =	vmul.f32 v8, v8;
	v22 =	vmul.f32 v18, v18;
	v23 =	vld.idx.msk [tilespmem:v5+s29+$0xFFFFFFC0 ss:$0x1], $0xffff  }
0x28d: {  	v25 =	vmul.f32 v20, v20;
	v14 =	vadd.f32 v14, v12;
	v10 =	vld.idx.msk [tilespmem:v5+s29+$0xFFFFFFD0 ss:$0x1], $0xffff;
	v26 =	vsub.f32 v27, v11;
	v7 =	vpop (erf)  }
.Ltmp5:
0x28e: {  	v27 =	vmul.f32 v19, v28;
	v19 =	vmul.f32 v8, v13;
	v29 =	vadd.f32 v15, v16;
	v11 =	vld.idx.msk [tilespmem:v5+s29+$0xFFFFFFE0 ss:$0x1], $0xffff;
	v8 =	vpop (erf);
	(pc) =	sbr.rel @p1 .LBB2_12-.Ltmp5, $4  }
0x28f: {  	v16 =	vmul.f32 v18, v9;
	v30 =	vadd.f32 v22, v17;
	v12 =	vld.idx.msk [tilespmem:v5+s29+$0xFFFFFFF0 ss:$0x1], $0xffff;
	[tilespmem:s29+$0x10180] =	vst v26  }
0x290: {  	v17 =	vmul.f32 v14, v28;
	v22 =	vmul.f32 v20, v24;
	v15 =	vld.idx.msk [tilespmem:v6+s29+$0xFFFFFFC0 ss:$0x1], $0xffff;
	v14 =	vadd.f32 v25, v21  }
0x291: {  	v20 =	vmul.f32 v29, v13;
	v18 =	vld.idx.msk [tilespmem:v6+s29+$0xFFFFFFD0 ss:$0x1], $0xffff;
	v13 =	vmul.f32 v30, v9;
	v9 =	vpop (erf)  }
0x292: {  	s0 =	sadd.s32 $0x140, s0;
	v23 =	vadd.f32 v27, v23;
	v21 =	vld.idx.msk [tilespmem:v6+s29+$0xFFFFFFE0 ss:$0x1], $0xffff;
	v14 =	vmul.f32 v14, v24  }
0x293: {  	_ =	sdelay $0x3  }
0x294: {  	v4 =	vadd.f32 v19, v10;
	v5 =	vld.idx.msk [tilespmem:v6+s29+$0xFFFFFFF0 ss:$0x1], $0xffff  }
0x295: {  	v49 =	vadd.f32 v16, v11;
	v48 =	vmul.f32 v23, v7  }
0x296: {  	v50 =	vadd.f32 v22, v12;
	v4 =	vmul.f32 v4, v8;
	v51 =	vadd.f32 v17, v15  }
0x297: {  	v54 =	vpop (erf);
	v10 =	vmul.f32 v49, v9;
	v52 =	vmul.f32 v48, v48;
	v53 =	vadd.f32 v20, v18  }
0x298: {  	v11 =	vmul.f32 v50, v54;
	[tilespmem:s29+$0xF970] =	vst v48;
	v56 =	vmul.f32 v51, v7;
	v57 =	vadd.f32 v13, v21  }
0x299: {  	v55 =	vmul.f32 v4, v4;
	[tilespmem:s29+$0xF980] =	vst v4;
	v58 =	vmul.f32 v53, v8;
	v5 =	vadd.f32 v14, v5  }
0x29a: {  	v59 =	vmul.f32 v10, v10;
	[tilespmem:s29+$0xF990] =	vst v10;
	v60 =	vsub.f32 v56, v52;
	v61 =	vmul.f32 v57, v9  }
0x29b: {  	v62 =	vmul.f32 v11, v11;
	[tilespmem:s29+$0xF9A0] =	vst v11;
	v4 =	vsub.f32 v58, v55;
	v5 =	vmul.f32 v5, v54  }
0x29c: {  	[tilespmem:s29+$0x10140] =	vst v60;
	v63 =	vsub.f32 v61, v59  }
0x29d: {  	[tilespmem:s29+$0x10150] =	vst v4;
	v4 =	vsub.f32 v5, v62  }
0x29e: {  	[tilespmem:s29+$0x10160] =	vst v63  }
0x29f: {  	s0 =	sadd.s32 s8, s3;
	s5 =	simm.s32 $0xF970;
	[tilespmem:s29+$0x10170] =	vst v4  }
0x2a0: {  	[hbm4b:s0+s16] =	stream.strided.scatter [tilespmem:s5], [sflag:$0x6], $0x7D0, s17, s16, $0x38;
	[tilespmem:$0x110E0] =	vst v63  }
0x2a1: {  	_ =	swait.ge [sflag:s30], $0x7D0  }
0x2a2: {  	[sflag:s30] =	ssyncset.done $0x0  }
0x2a3: {  	s31 =	sadd.s32 s9, s3;
	[sflag:s30] =	ssyncadd.s32 $0xFFFFF830  }
0x2a4: {  	[hbm4b:s31+s16] =	stream.strided.scatter [tilespmem:s18], [sflag:$0x6], $0x7D0, s17, s16, $0x38;
	[tilespmem:$0x110E0] =	vst v63  }
0x2a5: {  	s2 =	sadd.s32 $0x1, s2;
	_ =	swait.ge [sflag:s30], $0x7D0  }
0x2a6: {  	s3 =	simm.s32 @!p0 $0x0;
	p1 =	sne.s32 s2, $0x8;
	[sflag:s30] =	ssyncset.done $0x0  }
0x2a7: {  	s0 =	sadd.s32 @!p0 s10, s20;
	s5 =	simm.s32 @!p0 $0x10910;
	[sflag:s30] =	ssyncadd.s32 $0xFFFFF830  }
0x2a8: {  	[hbm4b:s0+s3] =	stream.linear.scatter @!p0 [tilespmem:s5], [sflag:$0x5], $0x7D0, $0x38;
	[tilespmem:$0x110E0] =	vst v63  }
.Ltmp6:
0x2a9: {  	_ = 	snop;
	(pc) =	sbr.rel @p1 .LBB2_11-.Ltmp6, $4  }
0x2aa: {  	s0 =	simm.s32 @!p0 $0x5  }
0x2ab: {  	_ =	swait.ge @!p0 [sflag:s0], $0x7D0  }
0x2ac: {  	s13 =	sadd.s32 $0x7D0, s13;
	[sflag:s0] =	ssyncset.done @!p0 $0x0  }
0x2ad: {  	s14 =	sadd.s32 $0x7D0, s14;
	s15 =	sadd.s32 $0x7D0, s15;
	[sflag:s0] =	ssyncadd.s32 @!p0 $0xFFFFF830  }
0x2ae: {  	s2 =	rddreg [dreg:$0x9]  }
0x2af: {  	s0 =	rddreg [dreg:$0x8];
	s2 =	sadd.s32 $0x1, s2  }
0x2b0: {  	p1 =	sne.s32 s2, s0  }
.Ltmp7:
0x2b1: {  	_ = 	snop;
	(pc) =	sbr.rel @p1 .LBB2_1-.Ltmp7, $2  }
0x2b2: {  	_ =	sdelay $0x2  }
0x2b3: {  	s20 =	simm.s32 $0xD000  }
0x2b4: {  	_ =	sfence.sel $0x180000  }
0x2b5: {  	[bflag:$0x0] =	sbarrier.arrive $0xFFFF  }
0x2b6: {  	_ =	strace $0x9000004A  }
0x2b7: {  	s0 =	stileid.u32;
	[bflag:$0x2] =	sbarrier.arrive $0xFFFF  }
0x2b8: {  	p0 =	sne.s32 s0, $0x0;
	s0 =	rddreg [dreg:$0x4]  }
0x2b9: {  	s0 =	sadd.s32 @!p0 $0x100000, s0  }
0x2ba: {  	[sflag:s0] =	ssyncadd.tile.s32 @!p0 $0x1;
	_ =	shalt  }
.Lfunc_end2:
_tile_overlayer_lowered:
.L_overlay_start_2:
0x2bb: {  	(tag) =	ssettag $0x2  }
0x2bc: {  	s0 =	rddreg [dreg:$0x0];
	s2 =	stileid.u32  }
0x2bd: {  	s1 =	rddreg [dreg:$0x1];
	p0 =	sne.s32 s2, $0x0  }
0x2be: {  	s3 =	rddreg [dreg:$0x2];
	[bflag:$0x3] =	sbarrier.arrive $0xFFFF;
	s2 =	simm.s32 @!p0 $0x1C05  }
0x2bf: {  	[timem:s3], [sflag:s2] =	dma.local @!p0 [hbm:s0], s1  }
0x2c0: {  	s0 =	simm.s32 @!p0 $0x5  }
0x2c1: {  	_ =	swait.ge @!p0 [sflag:s0], s1  }
0x2c2: {  	s1 =	ssub.s32 @!p0 $0x0, s1;
	[sflag:s0] =	ssyncset.done @!p0 $0x0  }
0x2c3: {  	[sflag:s0] =	ssyncadd.s32 @!p0 s1  }
0x2c4: {  	[bflag:$0x3] =	sbarrier.arrive $0xFFFF  }
0x2c5: {  	_ =	shalt  }

// kernel: sparse-core-data-format-call.cloned.1.call-start
scs
called_computation_lowered:
.L_overlay_start_0:
0x0: {  	s2 =	sld [smem:$0x3FD9]  }
0x1: {  	s3 =	sld [smem:$0x3FFE];
	_ =	sdelay $0x1  }
0x2: {  	s1 =	srdreg.scid  }
0x3: {  	s0 =	sand.u32 $0x1, s1  }
0x4: {  	s18 =	sshll.u32 s0, $0xA;
	s2 =	sadd.s32 s3, s2  }
0x5: {  	s2 =	sadd.s32 s2, s18  }
0x6: {  	[smem:$0x3FC3] =	sst s2  }
0x7: {  	_ = 	snop  }
0x8: {  	s2 =	sld [smem:$0x3FC9];
	(tm) =	ssettm $0x1  }
0x9: {  	s19 =	sld [smem:$0x3FFB];
	_ =	sdelay $0x3  }
0xa: {  	_ =	strace s19  }
0xb: {  	s3 =	sld [smem:$0x3FFC];
	_ =	sdelay $0x3  }
0xc: {  	_ =	strace s3  }
0xd: {  	s3 =	sld [smem:$0x3FFD];
	_ =	sdelay $0x3  }
0xe: {  	_ =	strace s3  }
0xf: {  	_ =	strace $0x8FFFFFFF  }
0x10: {  	s20 =	sld [smem:$0x3FDB];
	_ =	sdelay $0x1  }
0x11: {  	s4 =	simm.s32 $_scs_section_size  }
0x12: {  	s5 =	simm.s32 $_size__tile_overlayer_lowered;
	s6 =	simm.s32 $_tile_overlayer_lowered  }
0x13: {  	s23 =	simm.s32 $0x1BFF;
	s22 =	sshll.u32 s6, $0x1;
	s3 =	sadd.s32 s4, s20  }
0x14: {  	s7 =	simm.s32 $0x0;
	s21 =	sshll.u32 s5, $0x1;
	s5 =	sadd.s32 s22, s3  }
0x15: {  	[timem:s7], [sflag:s23] =	dma.local [hbm:s5], s21  }
0x16: {  	_ =	swait.ge [sflag:s23], s21  }
0x17: {  	s4 =	ssub.s32 $0x0, s21;
	[sflag:s23] =	ssyncset.done $0x0  }
0x18: {  	[sflag:s23] =	ssyncadd.s32 s4;
	_ =	sdelay $0x1  }
0x19: {  	s24 =	simm.s32 $0x1B8B  }
0x1a: {  	_ =	swait.ge [sflag:s24], $0x1  }
0x1b: {  	[sflag:s24] =	ssyncset.done $0x0  }
0x1c: {  	s26 =	simm.s32 $0x1B8E;
	s25 =	sld [smem:$0x3FFE];
	[sflag:s24] =	ssyncadd.s32 $0xFFFFFFFF  }
0x1d: {  	s27 =	simm.s32 $execute0_lowered;
	[smem:$0x3FD2] =	sst s26  }
0x1e: {  	s5 =	sshll.u32 s27, $0x1;
	_ =	strace $0x80000046;
	[dreg:$0x1] =	wrdreg $0xFFFFFFFF  }
0x1f: {  	s28 =	simm.s32 $_size_execute0_lowered;
	s3 =	sadd.s32 s3, s5;
	[dreg:$0x0] =	wrdreg $0x0  }
0x20: {  	s5 =	sshll.u32 s28, $0x1;
	[dreg:$0x2] =	wrdreg s3  }
0x21: {  	[dreg:$0x3] =	wrdreg s5  }
0x22: {  	[dreg:$0x4] =	wrdreg $0xC0  }
0x23: {  	_ =	task [dreg:s7], $0x5FFFF  }
0x24: {  	[dreg:$0x1] =	wrdreg $0xFFFFFFFF  }
0x25: {  	[dreg:$0x0] =	wrdreg $0x60  }
0x26: {  	[dreg:$0x2] =	wrdreg s2  }
0x27: {  	[dreg:$0x3] =	wrdreg s25  }
0x28: {  	[dreg:$0x4] =	wrdreg $0x9  }
0x29: {  	_ =	task.clear_ibuf [dreg:s7], $0x5FFFF;
	_ =	strace $0x90000046  }
0x2a: {  	s29 =	simm.s32 $0x9;
	_ =	strace $0x80000048  }
0x2b: {  	_ =	swait.ge [sflag:s29], $0x1  }
0x2c: {  	[sflag:s29] =	ssyncadd.s32 $0xFFFFFFFF  }
0x2d: {  	_ =	strace $0x90000048  }
0x2e: {  	_ =	sfence  }
0x2f: {  	s30 =	sld [smem:$0x0];
	_ =	sdelay $0x2  }
0x30: {  	s31 =	sshll.u32 s1, $0xD;
	s1 =	sshrl.u32 s1, $0x2  }
0x31: {  	s3 =	sand.u32 $0x4000, s31;
	s1 =	sadd.s32 s1, s30  }
0x32: {  	s0 =	sor.u32 s3, s0;
	s1 =	sshll.u32 s1, $0x11  }
0x33: {  	s0 =	sor.u32 s1, s0  }
0x34: {  	s0 =	sadd.s32 $0x8F2B, s0  }
0x35: {  	[sflag:s0] =	ssyncadd.remote.s32 $0x1  }
0x36: {  	_ =	sfence.sel $0xFFFF  }
0x37: {  	[dreg:$0x0] =	wrdreg $0xFFFFFFFF;
	(pc) =	sbr.abs _section_cstart, $3  }
0x38: {  	[dreg:$0x1] =	wrdreg $0xFFFFFFFF  }
0x39: {  	_ =	task.clear_ibuf [dreg:s7], $0x2FFFF;
	_ =	strace $0x9FFFFFFF  }
0x3a: {  	(tm) =	ssettm $0x7FFFFFFF  }
0x3b: {  	_ =	shalt  }
tec
execute0_lowered:
.L_overlay_start_1:
0x0: {  	(tag) =	ssettag $0x1  }
0x1: {  	s0 =	srdreg.scid  }
0x2: {  	s1 =	sshll.u32 s0, $0x4  }
0x3: {  	s2 =	rddreg [dreg:$0x0];
	s0 =	stileid.u32;
	s1 =	sand.u32 $0x10, s1  }
0x4: {  	s4 =	rddreg [dreg:$0x1];
	s7 =	simm.s32 $0x1;
	s1 =	sor.u32 s0, s1  }
0x5: {  	s8 =	simm.s32 $0x2;
	s9 =	simm.s32 $0x0;
	s3 =	sshll.u32 s1, $0x2  }
0x6: {  	s12 =	simm.s32 $0x0;
	s11 =	simm.s32 $0x0;
	s6 =	ssub.s32 $0x800, s3  }
.Ltmp0:
0x7: {  	s4 =	sadd.s32 $0x1600, s4;
	s5 =	sand.u32 $0x7C, s6;
	(pc) =	sbr.rel .LBB1_1-.Ltmp0, $4  }
0x8: {  	s1 =	rddreg [dreg:$0x2];
	_ =	strace $0x80000047;
	p0 =	sne.s32 s5, $0x0  }
0x9: {  	s6 =	sshrl.u32 s6, $0x7;
	s5 =	simm.s32 $0x1;
	s7 =	simm.s32 @!p0 $0x0  }
0xa: {  	s10 =	smov.u32 s3;
	[sflag:s5] =	ssyncpa.u1 $0x0;
	s6 =	sadd.s32 s7, s6  }
0xb: {  	[sflag:s8] =	ssyncpa.u1 $0x0;
	s8 =	simm.s32 $0x0;
	s7 =	sadd.s32 $0x1, s6  }
.LBB1_9:
0xc: {  	s14 =	sadd.s32 $0x80, s10  }
0xd: {  	p1 =	sgt.s32 s14, $0x7FF  }
0xe: {  	s14 =	smov.u32 @p1 s3;
	p1 =	sne.s32 s11, s7  }
.Ltmp1:
0xf: {  	p0 =	slt.u32 s11, $0x2;
	(pc) =	sbr.rel @!p1 .LBB1_10-.Ltmp1, $4  }
0x10: {  	s13 =	simm.s32 @!p0 $0x2  }
0x11: {  	s15 =	sadd.s32 $0x1, s11;
	_ =	swait.ge @!p0 [sflag:s13], $0x4000  }
0x12: {  	s12 =	smov.u32 s10;
	s9 =	sadd.s32 $0x4000, s9;
	[sflag:s13] =	ssyncset.done @!p0 $0x0  }
0x13: {  	s11 =	smov.u32 s15;
	s10 =	smov.u32 s14;
	[sflag:s13] =	ssyncadd.s32 @!p0 $0xFFFFC000  }
.LBB1_1:
0x14: {  	p0 =	sge.u32 s11, s6  }
0x15: {  	s13 =	sxor.u32 @!p0 $0xFFFFFFFF, s11  }
0x16: {  	s31 =	sadd.s32 $0xFFFFFFFF, s11;
	s14 =	sshll.u32 @!p0 s10, $0x9;
	s13 =	sshll.u32 @!p0 s13, $0xE  }
0x17: {  	s15 =	simm.s32 @!p0 $0x0;
	s14 =	sadd.s32 @!p0 s2, s14;
	s13 =	sand.u32 @!p0 $0x4000, s13  }
0x18: {  	[tilespmem:s13], [sflag:$0x1] =	stream.linear.gather @!p0 [hbm4b:s14+s15], $0x4000, $0x38;
	[tilespmem:$0x10000] =	vst v63  }
0x19: {  	p0 =	sge.u32 s31, s6  }
.Ltmp2:
0x1a: {  	_ = 	snop;
	(pc) =	sbr.rel @p0 .LBB1_9-.Ltmp2, $1  }
0x1b: {  	_ =	sdelay $0x3  }
0x1c: {  	s14 =	sand.u32 $0x4000, s9  }
0x1d: {  	_ =	swait.ge [sflag:s5], $0x4000;
	s15 =	sshll.u32 s11, $0xE;
	s16 =	simm.s32 $0x0  }
0x1e: {  	s13 =	sor.u32 $0x40, s14;
	[sflag:s5] =	ssyncset.done $0x0;
	s15 =	sand.u32 $0x4000, s15  }
0x1f: {  	s14 =	sor.u32 $0x8040, s14;
	[sflag:s5] =	ssyncadd.s32 $0xFFFFC000;
	s15 =	sor.u32 $0x8000, s15  }
.LBB1_3:
0x20: {  	s17 =	smov.u32 s14;
	s18 =	smov.u32 s13;
	s19 =	simm.s32 $0x0  }
.LBB1_4:
0x21: {  	v0 =	vmov s17;
	v2 =	vld [tilespmem:s18+$0x30]  }
0x22: {  	v4 =	vld [tilespmem:s18+$0xFFFFFFD0]  }
0x23: {  	v6 =	vld [tilespmem:s18+$0xFFFFFFE0]  }
0x24: {  	v7 =	vld [tilespmem:s18+$0xFFFFFFF0]  }
0x25: {  	s20 =	simm.s32 $0x0;
	v1 =	vld [tilespmem:s18+$0x0]  }
0x26: {  	v3 =	vld [tilespmem:s18+$0x10];
	[tilespmem:v0+s20+$0x30 ss:$0x1] =	vst.idx.msk $0xffff, v2  }
0x27: {  	v5 =	vld [tilespmem:s18+$0x20];
	[tilespmem:v0+s20+$0xFFFFFFD0 ss:$0x1] =	vst.idx.msk $0xffff, v4  }
0x28: {  	s21 =	sadd.s32 $0x80, s18;
	v2 =	vld [tilespmem:s18+$0xFFFFFFC0];
	[tilespmem:v0+s20+$0xFFFFFFE0 ss:$0x1] =	vst.idx.msk $0xffff, v6  }
0x29: {  	s22 =	simm.s32 $0x800;
	s23 =	simm.s32 $0x1000;
	v4 =	vld [tilespmem:s21+$0x30];
	[tilespmem:v0+s20+$0xFFFFFFF0 ss:$0x1] =	vst.idx.msk $0xffff, v7  }
.LBB1_5:
0x2a: {  	p0 =	sne.s32 s23, $0x3800;
	v6 =	vld [tilespmem:s21+$0xFFFFFFD0];
	[tilespmem:v0+s20+$0x0 ss:$0x1] =	vst.idx.msk $0xffff, v1  }
0x2b: {  	v7 =	vld [tilespmem:s21+$0xFFFFFFE0];
	[tilespmem:v0+s20+$0x10 ss:$0x1] =	vst.idx.msk $0xffff, v3  }
0x2c: {  	v8 =	vld [tilespmem:s21+$0xFFFFFFF0];
	[tilespmem:v0+s20+$0x20 ss:$0x1] =	vst.idx.msk $0xffff, v5  }
.Ltmp3:
0x2d: {  	v1 =	vld [tilespmem:s21+$0x0];
	[tilespmem:v0+s20+$0xFFFFFFC0 ss:$0x1] =	vst.idx.msk $0xffff, v2;
	s20 =	sshra.s32 s22, $0x2;
	s22 =	smov.u32 s23;
	(pc) =	sbr.rel @p0 .LBB1_5-.Ltmp3, $4  }
0x2e: {  	v3 =	vld [tilespmem:s21+$0x10];
	[tilespmem:v0+s20+$0x30 ss:$0x1] =	vst.idx.msk $0xffff, v4  }
0x2f: {  	[tilespmem:v0+s20+$0xFFFFFFD0 ss:$0x1] =	vst.idx.msk $0xffff, v6;
	v5 =	vld [tilespmem:s21+$0x20]  }
0x30: {  	v2 =	vld [tilespmem:s21+$0xFFFFFFC0];
	[tilespmem:v0+s20+$0xFFFFFFE0 ss:$0x1] =	vst.idx.msk $0xffff, v7;
	s21 =	sadd.s32 $0x80, s21  }
0x31: {  	s23 =	sadd.s32 $0x800, s23;
	v4 =	vld [tilespmem:s21+$0x30];
	[tilespmem:v0+s20+$0xFFFFFFF0 ss:$0x1] =	vst.idx.msk $0xffff, v8  }
0x32: {  	_ =	sdelay $0x3  }
0x33: {  	v6 =	vld [tilespmem:s21+$0xFFFFFFD0];
	[tilespmem:v0+s20+$0x0 ss:$0x1] =	vst.idx.msk $0xffff, v1  }
0x34: {  	v58 =	vld [tilespmem:s21+$0xFFFFFFE0];
	[tilespmem:v0+s20+$0x10 ss:$0x1] =	vst.idx.msk $0xffff, v3  }
0x35: {  	v59 =	vld [tilespmem:s21+$0xFFFFFFF0];
	[tilespmem:v0+s20+$0x20 ss:$0x1] =	vst.idx.msk $0xffff, v5  }
0x36: {  	s22 =	sshra.s32 s22, $0x2;
	v60 =	vld [tilespmem:s21+$0x0];
	[tilespmem:v0+s20+$0xFFFFFFC0 ss:$0x1] =	vst.idx.msk $0xffff, v2  }
0x37: {  	v61 =	vld [tilespmem:s21+$0x10];
	[tilespmem:v0+s22+$0x30 ss:$0x1] =	vst.idx.msk $0xffff, v4  }
0x38: {  	v62 =	vld [tilespmem:s21+$0x20];
	s19 =	sadd.s32 $0x1, s19;
	[tilespmem:v0+s22+$0xFFFFFFD0 ss:$0x1] =	vst.idx.msk $0xffff, v6  }
0x39: {  	v63 =	vld [tilespmem:s21+$0xFFFFFFC0];
	p0 =	sne.s32 s19, $0x4;
	[tilespmem:v0+s22+$0xFFFFFFE0 ss:$0x1] =	vst.idx.msk $0xffff, v58  }
.Ltmp4:
0x3a: {  	[tilespmem:v0+s22+$0xFFFFFFF0 ss:$0x1] =	vst.idx.msk $0xffff, v59;
	(pc) =	sbr.rel @p0 .LBB1_4-.Ltmp4, $4  }
0x3b: {  	[tilespmem:v0+s22+$0x0 ss:$0x1] =	vst.idx.msk $0xffff, v60  }
0x3c: {  	[tilespmem:v0+s22+$0x10 ss:$0x1] =	vst.idx.msk $0xffff, v61  }
0x3d: {  	[tilespmem:v0+s22+$0x20 ss:$0x1] =	vst.idx.msk $0xffff, v62  }
0x3e: {  	s18 =	sadd.s32 $0x400, s18;
	s17 =	sadd.s32 $0x80, s17;
	[tilespmem:v0+s22+$0xFFFFFFC0 ss:$0x1] =	vst.idx.msk $0xffff, v63  }
0x3f: {  	s16 =	sadd.s32 $0x1, s16  }
0x40: {  	p0 =	sne.s32 s16, $0x4  }
.Ltmp5:
0x41: {  	_ = 	snop;
	(pc) =	sbr.rel @p0 .LBB1_3-.Ltmp5, $2  }
0x42: {  	_ =	sdelay $0x2  }
0x43: {  	s13 =	sadd.s32 $0x1000, s13;
	s14 =	sadd.s32 $0x1000, s14  }
.Ltmp6:
0x44: {  	(pc) =	sbr.rel .LBB1_9-.Ltmp6, $4  }
0x45: {  	_ = 	snop  }
0x46: {  	s12 =	sshll.u32 s12, $0x9  }
0x47: {  	s12 =	sadd.s32 s4, s12  }
0x48: {  	[hbm4b:s12+s8] =	stream.linear.scatter [tilespmem:s15], [sflag:$0x2], $0x4000, $0x38;
	[tilespmem:$0x10000] =	vst v63  }
.LBB1_10:
0x49: {  	_ =	sfence.sel $0x180000  }
0x4a: {  	s2 =	simm.s32 $0x1;
	[bflag:$0x0] =	sbarrier.arrive $0xFFFF  }
0x4b: {  	s31 =	simm.s32 $0x2;
	[sflag:s2] =	ssyncpa.u1 $0x1  }
0x4c: {  	[sflag:s31] =	ssyncpa.u1 $0x1  }
0x4d: {  	p0 =	sne.s32 s0, $0x0;
	_ =	strace $0x90000047  }
0x4e: {  	s0 =	sadd.s32 @!p0 $0x100000, s1;
	[bflag:$0x2] =	sbarrier.arrive $0xFFFF  }
0x4f: {  	[sflag:s0] =	ssyncadd.tile.s32 @!p0 $0x1;
	_ =	shalt  }
.Lfunc_end1:
_tile_overlayer_lowered:
.L_overlay_start_2:
0x50: {  	(tag) =	ssettag $0x2  }
0x51: {  	s0 =	rddreg [dreg:$0x0];
	s2 =	stileid.u32  }
0x52: {  	s1 =	rddreg [dreg:$0x1];
	p0 =	sne.s32 s2, $0x0  }
0x53: {  	s3 =	rddreg [dreg:$0x2];
	[bflag:$0x3] =	sbarrier.arrive $0xFFFF;
	s2 =	simm.s32 @!p0 $0x1C01  }
0x54: {  	[timem:s3], [sflag:s2] =	dma.local @!p0 [hbm:s0], s1  }
0x55: {  	s0 =	simm.s32 @!p0 $0x1  }
0x56: {  	_ =	swait.ge @!p0 [sflag:s0], s1  }
0x57: {  	s1 =	ssub.s32 @!p0 $0x0, s1;
	[sflag:s0] =	ssyncset.done @!p0 $0x0  }
0x58: {  	[sflag:s0] =	ssyncadd.s32 @!p0 s1  }
0x59: {  	[bflag:$0x3] =	sbarrier.arrive $0xFFFF  }
0x5a: {  	_ =	shalt  }

</sc_bundles>
